<compile_context>
chip_gen: v7x
topology: tpu7x:2x2x1
jax: 0.10.2.dev20260603
libtpu: 0.0.44.dev20260713+nightly
codegen_flags: <defaults>
</compile_context>

<pallas_src>
import functools

import jax
import jax.numpy as jnp
from jax import lax
from jax.experimental import pallas as pl
from jax.experimental.pallas import tpu as pltpu
from jax.experimental.pallas import tpu_sc as plsc

N_NODES = 10000
C = 256
NUM_CORES = 2
NUM_SUBCORES = 16
NW = NUM_CORES * NUM_SUBCORES
R = 320
PAD_N = NW * R
STRIP = 6400
GK = 32


def _sc_aggregate(x, src, dst):
    E = src.shape[0]
    n_strips = E // STRIP
    n_cchunks = STRIP // 16

    mesh = plsc.VectorSubcoreMesh(
        core_axis_name="c", subcore_axis_name="s",
        num_cores=NUM_CORES, num_subcores=NUM_SUBCORES)

    @functools.partial(
        pl.kernel,
        out_type=(jax.ShapeDtypeStruct((PAD_N, C), jnp.float32),
                  jax.ShapeDtypeStruct((NW * 8, C), jnp.float32)),
        mesh=mesh,
        compiler_params=pltpu.CompilerParams(needs_layout_passes=False),
        scratch_types=[
            pltpu.VMEM((STRIP,), jnp.int32),
            pltpu.VMEM((STRIP,), jnp.int32),
            pltpu.VMEM((STRIP + 32,), jnp.int32),
            pltpu.VMEM((STRIP + 32,), jnp.int32),
            pltpu.VMEM((GK, C), jnp.float32),
            pltpu.VMEM((GK, C), jnp.float32),
            pltpu.SemaphoreType.DMA,
            pltpu.SemaphoreType.DMA,
            pltpu.VMEM((R, C), jnp.float32),
            pltpu.VMEM((R + 16,), jnp.float32),
            pltpu.VMEM((8, C), jnp.float32),
        ],
    )
    def k(x_hbm, src_hbm, dst_hbm, agg_out, deg_out,
          ssrc_v, sdst_v, psrc_v, pdl_v, rows_a, rows_b, sem_a, sem_b,
          acc_v, deg_v, dst_stage_v):
        cid = lax.axis_index("c")
        sid = lax.axis_index("s")
        wid = cid * NUM_SUBCORES + sid
        base = wid * R

        zero16 = jnp.zeros((16,), jnp.float32)
        one16 = jnp.ones((16,), jnp.float32)
        lane0 = lax.iota(jnp.int32, 16) == 0

        @plsc.parallel_loop(0, R)
        def _(i):
            for j in range(C // 16):
                acc_v[i, pl.ds(j * 16, 16)] = zero16

        @plsc.parallel_loop(0, (R + 16) // 16)
        def _(i):
            deg_v[pl.ds(i * 16, 16)] = zero16

        @plsc.parallel_loop(0, (STRIP + 32) // 16)
        def _(i):
            psrc_v[pl.ds(i * 16, 16)] = jnp.zeros((16,), jnp.int32)

        @pl.loop(0, n_strips)
        def _(s):
            e0 = s * STRIP
            pltpu.sync_copy(src_hbm.at[pl.ds(e0, STRIP)], ssrc_v)
            pltpu.sync_copy(dst_hbm.at[pl.ds(e0, STRIP)], sdst_v)

            def compress(j, off):
                dv = sdst_v[pl.ds(j * 16, 16)]
                sv = ssrc_v[pl.ds(j * 16, 16)]
                rel = dv - base
                m = rel.astype(jnp.uint32) < R
                plsc.store_compressed(psrc_v.at[pl.ds(off, 16)], sv, mask=m)
                plsc.store_compressed(pdl_v.at[pl.ds(off, 16)], rel, mask=m)
                return off + plsc.all_reduce_population_count(m)[0]

            kk = plsc.parallel_loop(0, n_cchunks, carry=jnp.int32(0))(compress)

            nch = (kk + GK - 1) // GK

            def fire(c, buf, sem):
                pltpu.make_async_copy(
                    x_hbm.at[psrc_v.at[pl.ds(c * GK, GK)]], buf, sem).start()

            def drain(c, buf, sem):
                pltpu.make_async_copy(
                    x_hbm.at[psrc_v.at[pl.ds(c * GK, GK)]], buf, sem).wait()
                nrows = jnp.minimum(GK, kk - c * GK)

                @plsc.parallel_loop(0, nrows)
                def _(r):
                    dl = pdl_v[pl.ds(c * GK + r, 16)][0]
                    for j in range(C // 16):
                        plsc.addupdate(acc_v.at[dl, pl.ds(j * 16, 16)],
                                       buf[r, pl.ds(j * 16, 16)])
                    plsc.addupdate_scatter(
                        deg_v, [jnp.full((16,), dl, jnp.int32)], one16,
                        mask=lane0)

            @pl.when(nch > 0)
            def _():
                fire(0, rows_a, sem_a)

            @pl.loop(0, (nch + 1) // 2)
            def _(pair):
                c0 = 2 * pair
                c1 = c0 + 1

                @pl.when(c1 < nch)
                def _():
                    fire(c1, rows_b, sem_b)

                drain(c0, rows_a, sem_a)

                @pl.when(c1 + 1 < nch)
                def _():
                    fire(c1 + 1, rows_a, sem_a)

                @pl.when(c1 < nch)
                def _():
                    drain(c1, rows_b, sem_b)

        for j in range(16):
            dst_stage_v[0, pl.ds(j * 16, 16)] = deg_v[pl.ds(j * 16, 16)]
        for j in range(4):
            dst_stage_v[1, pl.ds(j * 16, 16)] = deg_v[pl.ds(256 + j * 16, 16)]
        pltpu.sync_copy(acc_v, agg_out.at[pl.ds(base, R)])
        pltpu.sync_copy(dst_stage_v, deg_out.at[pl.ds(wid * 8, 8)])

    return k(x, src, dst)


BLK = 1000


def _pre_body(x_ref, w_ref, o_ref):
    o_ref[...] = jnp.dot(x_ref[...], w_ref[...],
                         preferred_element_type=jnp.float32)


def _dense_pre(x, W_cat):
    n = x.shape[0]
    return pl.pallas_call(
        _pre_body,
        grid=(n // BLK,),
        in_specs=[
            pl.BlockSpec((BLK, C), lambda i: (i, 0)),
            pl.BlockSpec((C, 2 * C), lambda i: (0, 0)),
        ],
        out_specs=pl.BlockSpec((BLK, 2 * C), lambda i: (i, 0)),
        out_shape=jax.ShapeDtypeStruct((n, 2 * C), jnp.float32),
    )(x, W_cat)


def _post_body(w_ref, x_ref, a_ref, d_ref, p_ref, wgn_ref, wi_ref, o_ref):
    x_b = x_ref[...]
    s_b = a_ref[...]
    deg = jnp.maximum(d_ref[...][:, 0:1], 1.0)
    m_b = s_b / deg
    w1 = w_ref[1, 0]
    w2 = w_ref[2, 0]
    w3 = w_ref[3, 0]
    w4 = w_ref[4, 0]
    f32 = jnp.float32
    gs = jnp.dot(m_b, wgn_ref[...], preferred_element_type=f32)
    gcn = jax.nn.relu(gs[:, :C])
    sage = jax.nn.relu(p_ref[:, :C] + gs[:, C:])
    gin = jax.nn.relu(p_ref[:, C:]
                      + jnp.dot(s_b, wi_ref[...], preferred_element_type=f32))
    o_ref[...] = w1 * x_b + w2 * gcn + w3 * sage + w4 * gin


def _dense_post(x, agg, deg2d, pre, wvec, Wgn_cat, W_gin):
    n = x.shape[0]
    return pl.pallas_call(
        _post_body,
        grid=(n // BLK,),
        in_specs=[
            pl.BlockSpec((8, 128), lambda i: (0, 0)),
            pl.BlockSpec((BLK, C), lambda i: (i, 0)),
            pl.BlockSpec((BLK, C), lambda i: (i, 0)),
            pl.BlockSpec((BLK, 128), lambda i: (i, 0)),
            pl.BlockSpec((BLK, 2 * C), lambda i: (i, 0)),
            pl.BlockSpec((C, 2 * C), lambda i: (0, 0)),
            pl.BlockSpec((C, C), lambda i: (0, 0)),
        ],
        out_specs=pl.BlockSpec((BLK, C), lambda i: (i, 0)),
        out_shape=jax.ShapeDtypeStruct((n, C), jnp.float32),
    )(wvec, x, agg, deg2d, pre, Wgn_cat, W_gin)


def kernel(x, edge_index, weights, W_gcn, W_sage_self, W_sage_neigh, W_gin):
    src = edge_index[0]
    dst = edge_index[1]
    agg, deg_blk = _sc_aggregate(x, src, dst)
    pre = _dense_pre(x, jnp.concatenate([W_sage_self, W_gin], axis=1))
    deg = deg_blk.reshape(NW, 8 * C)[:, :R].reshape(PAD_N)
    deg2d = jnp.broadcast_to(deg[:N_NODES, None], (N_NODES, 128))
    wvec = jnp.pad(jnp.broadcast_to(weights.reshape(5, 1), (5, 128)),
                   ((0, 3), (0, 0)))
    return _dense_post(x, agg[:N_NODES], deg2d, pre, wvec,
                       jnp.concatenate([W_gcn, W_sage_neigh], axis=1), W_gin)

# --- scband reference (transcript-rebuilt; emitter-appended) ---
"""Pipeline reference for scband-mixed-op-23725399343335 (READ-ONLY COPY).

The authoritative reference and input builder live on the scoring server;
editing this copy changes nothing except your own understanding.
"""

import jax, jax.numpy as jnp
import numpy as np

N_NODES = 10000
N_EDGES = 160000
C = 256
NUM_OPS = 5  # PRIMITIVES = ['none', 'skip_connect', 'gcn', 'sage', 'gin']


def setup_inputs(seed: int = 0) -> dict:
    key = jax.random.key(seed)
    ks = jax.random.split(key, 8)
    x = jax.random.normal(ks[0], (N_NODES, C), dtype=jnp.float32)
    edge_index = jax.random.randint(ks[1], (2, N_EDGES), 0, N_NODES, dtype=jnp.int32)
    weights = jax.nn.softmax(jax.random.normal(ks[2], (NUM_OPS,), dtype=jnp.float32))
    W_gcn = jax.random.normal(ks[3], (C, C), dtype=jnp.float32) * 0.05
    W_sage_self = jax.random.normal(ks[4], (C, C), dtype=jnp.float32) * 0.05
    W_sage_neigh = jax.random.normal(ks[5], (C, C), dtype=jnp.float32) * 0.05
    W_gin = jax.random.normal(ks[6], (C, C), dtype=jnp.float32) * 0.05
    return {"x": x, "edge_index": edge_index, "weights": weights,
            "W_gcn": W_gcn, "W_sage_self": W_sage_self,
            "W_sage_neigh": W_sage_neigh, "W_gin": W_gin}


def reference(x, edge_index, weights, W_gcn, W_sage_self, W_sage_neigh, W_gin):
    # MixedOp.forward with selected_idx=None:
    #   sum(w * op(x, edge_index) for w, op in zip(weights, ops))
    src = edge_index[0]
    dst = edge_index[1]
    n = x.shape[0]

    # message passing aggregations (SparseCore: gather + segment_sum)
    msgs = jnp.take(x, src, axis=0)                      # gather [E, C]
    agg_sum = jax.ops.segment_sum(msgs, dst, num_segments=n)   # scatter-add
    deg = jax.ops.segment_sum(jnp.ones((src.shape[0],), jnp.float32), dst, num_segments=n)
    deg = jnp.maximum(deg, 1.0)
    agg_mean = agg_sum / deg[:, None]

    # PRIMITIVE ops
    op_none = jnp.zeros_like(x)
    op_skip = x
    op_gcn = jax.nn.relu(agg_mean @ W_gcn)
    op_sage = jax.nn.relu(x @ W_sage_self + agg_mean @ W_sage_neigh)
    op_gin = jax.nn.relu((x + agg_sum) @ W_gin)  # eps = 0

    out = (weights[0] * op_none + weights[1] * op_skip + weights[2] * op_gcn
           + weights[3] * op_sage + weights[4] * op_gin)
    return out


if False:  # reference __main__ guard neutralized (emitter)
    inp = setup_inputs()
    y = reference(**inp)
    print(y.shape, y.dtype)

if __name__ == "__main__":
    import jax
    _d = setup_inputs()
    print(jax.jit(kernel)(*tuple(_d.values())))

</pallas_src>

<mosaic_0001>
#map = affine_map<(d0, d1) -> (0, 0)>
#map1 = affine_map<(d0, d1) -> (0)>
module attributes {stable_mosaic.version = 14 : i64} {
  func.func @k(%arg0: i32, %arg1: i32, %arg2: memref<10000x256xf32, #tpu.memory_space<hbm>>, %arg3: memref<160000xi32, #tpu.memory_space<hbm>>, %arg4: memref<160000xi32, #tpu.memory_space<hbm>>, %arg5: memref<10240x256xf32, #tpu.memory_space<hbm>>, %arg6: memref<256x256xf32, #tpu.memory_space<hbm>>, %arg7: memref<6400xi32, #tpu.memory_space<vmem>>, %arg8: memref<6400xi32, #tpu.memory_space<vmem>>, %arg9: memref<6432xi32, #tpu.memory_space<vmem>>, %arg10: memref<6432xi32, #tpu.memory_space<vmem>>, %arg11: memref<32x256xf32, #tpu.memory_space<vmem>>, %arg12: memref<32x256xf32, #tpu.memory_space<vmem>>, %arg13: memref<!tpu.dma_semaphore, #tpu.memory_space<semaphore_mem>>, %arg14: memref<!tpu.dma_semaphore, #tpu.memory_space<semaphore_mem>>, %arg15: memref<320x256xf32, #tpu.memory_space<vmem>>, %arg16: memref<336xf32, #tpu.memory_space<vmem>>, %arg17: memref<8x256xf32, #tpu.memory_space<vmem>>) attributes {dimension_semantics = [#tpu.dimension_semantics<core_parallel>, #tpu.dimension_semantics<subcore_parallel>], iteration_bounds = array<i64: 2, 16>, scalar_prefetch = 0 : i64, scratch_operands = 11 : i64, tpu.core_type = #tpu.core_type<sc_vector_subcore>, window_params = [{transform_indices = #map}, {transform_indices = #map1}, {transform_indices = #map1}, {transform_indices = #map}, {transform_indices = #map}]} {
    %mul3A = arith.constant 16 : i32
    %mul3A_0 = arith.muli %arg0, %mul3A : i32
    %add3A = arith.addi %mul3A_0, %arg1 : i32
    %mul3A_1 = arith.constant 320 : i32
    %mul3A_2 = arith.muli %add3A, %mul3A_1 : i32
    %broadcast_in_dim3A = arith.constant 0.000000e+00 : f32
    %broadcast_in_dim3A_3 = vector.broadcast %broadcast_in_dim3A : f32 to vector<16xf32>
    %broadcast_in_dim3A_4 = arith.constant 1.000000e+00 : f32
    %broadcast_in_dim3A_5 = vector.broadcast %broadcast_in_dim3A_4 : f32 to vector<16xf32>
    %iota3A = tpu.iota {dimensions = array<i32: 0>} : vector<16xi32>
    %eq3A = arith.constant 0 : i32
    %eq3A_6 = vector.broadcast %eq3A : i32 to vector<16xi32>
    %eq3A_7 = arith.cmpi eq, %iota3A, %eq3A_6 : vector<16xi32>
    %parallel_loop3A = arith.constant 0 : i32
    %parallel_loop3A_8 = arith.constant 320 : i32
    %parallel_loop3A_9 = arith.constant 1 : i32
    scf.for %parallel_loop3A_140 = %parallel_loop3A to %parallel_loop3A_8 step %parallel_loop3A_9  : i32 {
      %parallel_loop3A_141 = arith.index_cast %parallel_loop3A_140 : i32 to index
      %parallel_loop3A_142 = arith.constant 0 : index
      %parallel_loop3A_143 = tpu.vector_load %arg15[%parallel_loop3A_141, %parallel_loop3A_142] {strides = array<i32>} : memref<320x256xf32, #tpu.memory_space<vmem>>, vector<16xf32>,
      tpu.vector_store %arg15[%parallel_loop3A_141, %parallel_loop3A_142], %broadcast_in_dim3A_3 {strides = array<i32>} : memref<320x256xf32, #tpu.memory_space<vmem>>, vector<16xf32>,
      %parallel_loop3A_144 = arith.index_cast %parallel_loop3A_140 : i32 to index
      %parallel_loop3A_145 = arith.constant 16 : index
      %parallel_loop3A_146 = tpu.vector_load %arg15[%parallel_loop3A_144, %parallel_loop3A_145] {strides = array<i32>} : memref<320x256xf32, #tpu.memory_space<vmem>>, vector<16xf32>,
      tpu.vector_store %arg15[%parallel_loop3A_144, %parallel_loop3A_145], %broadcast_in_dim3A_3 {strides = array<i32>} : memref<320x256xf32, #tpu.memory_space<vmem>>, vector<16xf32>,
      %parallel_loop3A_147 = arith.index_cast %parallel_loop3A_140 : i32 to index
      %parallel_loop3A_148 = arith.constant 32 : index
      %parallel_loop3A_149 = tpu.vector_load %arg15[%parallel_loop3A_147, %parallel_loop3A_148] {strides = array<i32>} : memref<320x256xf32, #tpu.memory_space<vmem>>, vector<16xf32>,
      tpu.vector_store %arg15[%parallel_loop3A_147, %parallel_loop3A_148], %broadcast_in_dim3A_3 {strides = array<i32>} : memref<320x256xf32, #tpu.memory_space<vmem>>, vector<16xf32>,
      %parallel_loop3A_150 = arith.index_cast %parallel_loop3A_140 : i32 to index
      %parallel_loop3A_151 = arith.constant 48 : index
      %parallel_loop3A_152 = tpu.vector_load %arg15[%parallel_loop3A_150, %parallel_loop3A_151] {strides = array<i32>} : memref<320x256xf32, #tpu.memory_space<vmem>>, vector<16xf32>,
      tpu.vector_store %arg15[%parallel_loop3A_150, %parallel_loop3A_151], %broadcast_in_dim3A_3 {strides = array<i32>} : memref<320x256xf32, #tpu.memory_space<vmem>>, vector<16xf32>,
      %parallel_loop3A_153 = arith.index_cast %parallel_loop3A_140 : i32 to index
      %parallel_loop3A_154 = arith.constant 64 : index
      %parallel_loop3A_155 = tpu.vector_load %arg15[%parallel_loop3A_153, %parallel_loop3A_154] {strides = array<i32>} : memref<320x256xf32, #tpu.memory_space<vmem>>, vector<16xf32>,
      tpu.vector_store %arg15[%parallel_loop3A_153, %parallel_loop3A_154], %broadcast_in_dim3A_3 {strides = array<i32>} : memref<320x256xf32, #tpu.memory_space<vmem>>, vector<16xf32>,
      %parallel_loop3A_156 = arith.index_cast %parallel_loop3A_140 : i32 to index
      %parallel_loop3A_157 = arith.constant 80 : index
      %parallel_loop3A_158 = tpu.vector_load %arg15[%parallel_loop3A_156, %parallel_loop3A_157] {strides = array<i32>} : memref<320x256xf32, #tpu.memory_space<vmem>>, vector<16xf32>,
      tpu.vector_store %arg15[%parallel_loop3A_156, %parallel_loop3A_157], %broadcast_in_dim3A_3 {strides = array<i32>} : memref<320x256xf32, #tpu.memory_space<vmem>>, vector<16xf32>,
      %parallel_loop3A_159 = arith.index_cast %parallel_loop3A_140 : i32 to index
      %parallel_loop3A_160 = arith.constant 96 : index
      %parallel_loop3A_161 = tpu.vector_load %arg15[%parallel_loop3A_159, %parallel_loop3A_160] {strides = array<i32>} : memref<320x256xf32, #tpu.memory_space<vmem>>, vector<16xf32>,
      tpu.vector_store %arg15[%parallel_loop3A_159, %parallel_loop3A_160], %broadcast_in_dim3A_3 {strides = array<i32>} : memref<320x256xf32, #tpu.memory_space<vmem>>, vector<16xf32>,
      %parallel_loop3A_162 = arith.index_cast %parallel_loop3A_140 : i32 to index
      %parallel_loop3A_163 = arith.constant 112 : index
      %parallel_loop3A_164 = tpu.vector_load %arg15[%parallel_loop3A_162, %parallel_loop3A_163] {strides = array<i32>} : memref<320x256xf32, #tpu.memory_space<vmem>>, vector<16xf32>,
      tpu.vector_store %arg15[%parallel_loop3A_162, %parallel_loop3A_163], %broadcast_in_dim3A_3 {strides = array<i32>} : memref<320x256xf32, #tpu.memory_space<vmem>>, vector<16xf32>,
      %parallel_loop3A_165 = arith.index_cast %parallel_loop3A_140 : i32 to index
      %parallel_loop3A_166 = arith.constant 128 : index
      %parallel_loop3A_167 = tpu.vector_load %arg15[%parallel_loop3A_165, %parallel_loop3A_166] {strides = array<i32>} : memref<320x256xf32, #tpu.memory_space<vmem>>, vector<16xf32>,
      tpu.vector_store %arg15[%parallel_loop3A_165, %parallel_loop3A_166], %broadcast_in_dim3A_3 {strides = array<i32>} : memref<320x256xf32, #tpu.memory_space<vmem>>, vector<16xf32>,
      %parallel_loop3A_168 = arith.index_cast %parallel_loop3A_140 : i32 to index
      %parallel_loop3A_169 = arith.constant 144 : index
      %parallel_loop3A_170 = tpu.vector_load %arg15[%parallel_loop3A_168, %parallel_loop3A_169] {strides = array<i32>} : memref<320x256xf32, #tpu.memory_space<vmem>>, vector<16xf32>,
      tpu.vector_store %arg15[%parallel_loop3A_168, %parallel_loop3A_169], %broadcast_in_dim3A_3 {strides = array<i32>} : memref<320x256xf32, #tpu.memory_space<vmem>>, vector<16xf32>,
      %parallel_loop3A_171 = arith.index_cast %parallel_loop3A_140 : i32 to index
      %parallel_loop3A_172 = arith.constant 160 : index
      %parallel_loop3A_173 = tpu.vector_load %arg15[%parallel_loop3A_171, %parallel_loop3A_172] {strides = array<i32>} : memref<320x256xf32, #tpu.memory_space<vmem>>, vector<16xf32>,
      tpu.vector_store %arg15[%parallel_loop3A_171, %parallel_loop3A_172], %broadcast_in_dim3A_3 {strides = array<i32>} : memref<320x256xf32, #tpu.memory_space<vmem>>, vector<16xf32>,
      %parallel_loop3A_174 = arith.index_cast %parallel_loop3A_140 : i32 to index
      %parallel_loop3A_175 = arith.constant 176 : index
      %parallel_loop3A_176 = tpu.vector_load %arg15[%parallel_loop3A_174, %parallel_loop3A_175] {strides = array<i32>} : memref<320x256xf32, #tpu.memory_space<vmem>>, vector<16xf32>,
      tpu.vector_store %arg15[%parallel_loop3A_174, %parallel_loop3A_175], %broadcast_in_dim3A_3 {strides = array<i32>} : memref<320x256xf32, #tpu.memory_space<vmem>>, vector<16xf32>,
      %parallel_loop3A_177 = arith.index_cast %parallel_loop3A_140 : i32 to index
      %parallel_loop3A_178 = arith.constant 192 : index
      %parallel_loop3A_179 = tpu.vector_load %arg15[%parallel_loop3A_177, %parallel_loop3A_178] {strides = array<i32>} : memref<320x256xf32, #tpu.memory_space<vmem>>, vector<16xf32>,
      tpu.vector_store %arg15[%parallel_loop3A_177, %parallel_loop3A_178], %broadcast_in_dim3A_3 {strides = array<i32>} : memref<320x256xf32, #tpu.memory_space<vmem>>, vector<16xf32>,
      %parallel_loop3A_180 = arith.index_cast %parallel_loop3A_140 : i32 to index
      %parallel_loop3A_181 = arith.constant 208 : index
      %parallel_loop3A_182 = tpu.vector_load %arg15[%parallel_loop3A_180, %parallel_loop3A_181] {strides = array<i32>} : memref<320x256xf32, #tpu.memory_space<vmem>>, vector<16xf32>,
      tpu.vector_store %arg15[%parallel_loop3A_180, %parallel_loop3A_181], %broadcast_in_dim3A_3 {strides = array<i32>} : memref<320x256xf32, #tpu.memory_space<vmem>>, vector<16xf32>,
      %parallel_loop3A_183 = arith.index_cast %parallel_loop3A_140 : i32 to index
      %parallel_loop3A_184 = arith.constant 224 : index
      %parallel_loop3A_185 = tpu.vector_load %arg15[%parallel_loop3A_183, %parallel_loop3A_184] {strides = array<i32>} : memref<320x256xf32, #tpu.memory_space<vmem>>, vector<16xf32>,
      tpu.vector_store %arg15[%parallel_loop3A_183, %parallel_loop3A_184], %broadcast_in_dim3A_3 {strides = array<i32>} : memref<320x256xf32, #tpu.memory_space<vmem>>, vector<16xf32>,
      %parallel_loop3A_186 = arith.index_cast %parallel_loop3A_140 : i32 to index
      %parallel_loop3A_187 = arith.constant 240 : index
      %parallel_loop3A_188 = tpu.vector_load %arg15[%parallel_loop3A_186, %parallel_loop3A_187] {strides = array<i32>} : memref<320x256xf32, #tpu.memory_space<vmem>>, vector<16xf32>,
      tpu.vector_store %arg15[%parallel_loop3A_186, %parallel_loop3A_187], %broadcast_in_dim3A_3 {strides = array<i32>} : memref<320x256xf32, #tpu.memory_space<vmem>>, vector<16xf32>,
    } {sc.loop_unroll_factor = 1 : i64, sc.parallel_access}
    %parallel_loop3A_10 = arith.constant 0 : i32
    %parallel_loop3A_11 = arith.constant 21 : i32
    %parallel_loop3A_12 = arith.constant 1 : i32
    scf.for %parallel_loop3A_140 = %parallel_loop3A_10 to %parallel_loop3A_11 step %parallel_loop3A_12  : i32 {
      %parallel_loop3A_141 = arith.constant 16 : i32
      %parallel_loop3A_142 = arith.muli %parallel_loop3A_140, %parallel_loop3A_141 : i32
      %parallel_loop3A_143 = arith.index_cast %parallel_loop3A_142 : i32 to index
      %parallel_loop3A_144 = tpu.vector_load %arg16[%parallel_loop3A_143] {strides = array<i32>} : memref<336xf32, #tpu.memory_space<vmem>>, vector<16xf32>,
      tpu.vector_store %arg16[%parallel_loop3A_143], %broadcast_in_dim3A_3 {strides = array<i32>} : memref<336xf32, #tpu.memory_space<vmem>>, vector<16xf32>,
    } {sc.loop_unroll_factor = 1 : i64, sc.parallel_access}
    %parallel_loop3A_13 = arith.constant 0 : i32
    %parallel_loop3A_14 = arith.constant 402 : i32
    %parallel_loop3A_15 = arith.constant 1 : i32
    scf.for %parallel_loop3A_140 = %parallel_loop3A_13 to %parallel_loop3A_14 step %parallel_loop3A_15  : i32 {
      %parallel_loop3A_141 = arith.constant 0 : i32
      %parallel_loop3A_142 = vector.broadcast %parallel_loop3A_141 : i32 to vector<16xi32>
      %parallel_loop3A_143 = arith.constant 16 : i32
      %parallel_loop3A_144 = arith.muli %parallel_loop3A_140, %parallel_loop3A_143 : i32
      %parallel_loop3A_145 = arith.index_cast %parallel_loop3A_144 : i32 to index
      %parallel_loop3A_146 = tpu.vector_load %arg9[%parallel_loop3A_145] {strides = array<i32>} : memref<6432xi32, #tpu.memory_space<vmem>>, vector<16xi32>,
      tpu.vector_store %arg9[%parallel_loop3A_145], %parallel_loop3A_142 {strides = array<i32>} : memref<6432xi32, #tpu.memory_space<vmem>>, vector<16xi32>,
    } {sc.loop_unroll_factor = 1 : i64, sc.parallel_access}
    %scan3A = arith.constant 0 : i32
    %scan3A_16 = arith.constant 25 : i32
    %scan3A_17 = arith.addi %scan3A, %scan3A_16 : i32
    %scan3A_18 = arith.constant 1 : i32
    scf.for %scan3A_140 = %scan3A to %scan3A_17 step %scan3A_18  : i32 {
      %mul3A_141 = arith.constant 1 : i32
      %mul3A_142 = arith.muli %scan3A_140, %mul3A_141 : i32
      %add3A_143 = arith.constant 0 : i32
      %add3A_144 = arith.addi %add3A_143, %mul3A_142 : i32
      %mul3A_145 = arith.constant 6400 : i32
      %mul3A_146 = arith.muli %add3A_144, %mul3A_145 : i32
      "tpu.region"() ({
        %run_scoped3A = tpu.sem_alloc : memref<!tpu.dma_semaphore, #tpu.memory_space<semaphore_mem>>
        %dma_start3A = tpu.memref_slice %arg3[%mul3A_146] : memref<160000xi32, #tpu.memory_space<hbm>> -> memref<6400xi32, #tpu.memory_space<hbm>>
        %dma_start3A_218 = tpu.memref_slice %arg3[%mul3A_146] : memref<160000xi32, #tpu.memory_space<hbm>> -> memref<6400xi32, #tpu.memory_space<hbm>>
        tpu.enqueue_dma source(%dma_start3A_218 : memref<6400xi32, #tpu.memory_space<hbm>>) target(%arg7 : memref<6400xi32, #tpu.memory_space<vmem>>) target_semaphore(%run_scoped3A : memref<!tpu.dma_semaphore, #tpu.memory_space<semaphore_mem>>)
        %dma_wait3A = tpu.memref_slice %arg3[%mul3A_146] : memref<160000xi32, #tpu.memory_space<hbm>> -> memref<6400xi32, #tpu.memory_space<hbm>>
        %dma_wait3A_219 = tpu.memref_slice %arg3[%mul3A_146] : memref<160000xi32, #tpu.memory_space<hbm>> -> memref<6400xi32, #tpu.memory_space<hbm>>
        tpu.wait_dma2 semaphore(%run_scoped3A : memref<!tpu.dma_semaphore, #tpu.memory_space<semaphore_mem>>) src(%dma_wait3A_219 : memref<6400xi32, #tpu.memory_space<hbm>>) dst(%arg7 : memref<6400xi32, #tpu.memory_space<vmem>>)
        tpu.yield
      }) : () -> ()
      "tpu.region"() ({
        %run_scoped3A = tpu.sem_alloc : memref<!tpu.dma_semaphore, #tpu.memory_space<semaphore_mem>>
        %dma_start3A = tpu.memref_slice %arg4[%mul3A_146] : memref<160000xi32, #tpu.memory_space<hbm>> -> memref<6400xi32, #tpu.memory_space<hbm>>
        %dma_start3A_218 = tpu.memref_slice %arg4[%mul3A_146] : memref<160000xi32, #tpu.memory_space<hbm>> -> memref<6400xi32, #tpu.memory_space<hbm>>
        tpu.enqueue_dma source(%dma_start3A_218 : memref<6400xi32, #tpu.memory_space<hbm>>) target(%arg8 : memref<6400xi32, #tpu.memory_space<vmem>>) target_semaphore(%run_scoped3A : memref<!tpu.dma_semaphore, #tpu.memory_space<semaphore_mem>>)
        %dma_wait3A = tpu.memref_slice %arg4[%mul3A_146] : memref<160000xi32, #tpu.memory_space<hbm>> -> memref<6400xi32, #tpu.memory_space<hbm>>
        %dma_wait3A_219 = tpu.memref_slice %arg4[%mul3A_146] : memref<160000xi32, #tpu.memory_space<hbm>> -> memref<6400xi32, #tpu.memory_space<hbm>>
        tpu.wait_dma2 semaphore(%run_scoped3A : memref<!tpu.dma_semaphore, #tpu.memory_space<semaphore_mem>>) src(%dma_wait3A_219 : memref<6400xi32, #tpu.memory_space<hbm>>) dst(%arg8 : memref<6400xi32, #tpu.memory_space<vmem>>)
        tpu.yield
      }) : () -> ()
      %parallel_loop3A_147 = arith.constant 0 : i32
      %parallel_loop3A_148 = arith.constant 400 : i32
      %parallel_loop3A_149 = arith.constant 1 : i32
      %parallel_loop3A_150 = arith.constant 0 : i32
      %parallel_loop3A_151 = scf.for %parallel_loop3A_218 = %parallel_loop3A_147 to %parallel_loop3A_148 step %parallel_loop3A_149 iter_args(%parallel_loop3A_219 = %parallel_loop3A_150) -> (i32)  : i32 {
        %parallel_loop3A_220 = arith.constant 16 : i32
        %parallel_loop3A_221 = arith.muli %parallel_loop3A_218, %parallel_loop3A_220 : i32
        %parallel_loop3A_222 = arith.index_cast %parallel_loop3A_221 : i32 to index
        %parallel_loop3A_223 = tpu.vector_load %arg8[%parallel_loop3A_222] {strides = array<i32>} : memref<6400xi32, #tpu.memory_space<vmem>>, vector<16xi32>,
        %parallel_loop3A_224 = arith.constant 16 : i32
        %parallel_loop3A_225 = arith.muli %parallel_loop3A_218, %parallel_loop3A_224 : i32
        %parallel_loop3A_226 = arith.index_cast %parallel_loop3A_225 : i32 to index
        %parallel_loop3A_227 = tpu.vector_load %arg7[%parallel_loop3A_226] {strides = array<i32>} : memref<6400xi32, #tpu.memory_space<vmem>>, vector<16xi32>,
        %parallel_loop3A_228 = vector.broadcast %mul3A_2 : i32 to vector<16xi32>
        %parallel_loop3A_229 = arith.subi %parallel_loop3A_223, %parallel_loop3A_228 : vector<16xi32>
        %parallel_loop3A_230 = arith.constant 320 : i32
        %parallel_loop3A_231 = vector.broadcast %parallel_loop3A_230 : i32 to vector<16xi32>
        %parallel_loop3A_232 = arith.cmpi ult, %parallel_loop3A_229, %parallel_loop3A_231 : vector<16xi32>
        %parallel_loop3A_233 = arith.index_cast %parallel_loop3A_219 : i32 to index
        %parallel_loop3A_234 = tpu.vector_load %arg9[%parallel_loop3A_233] masked %parallel_loop3A_232 {strides = array<i32>} : memref<6432xi32, #tpu.memory_space<vmem>>, vector<16xi32>, vector<16xi1>
        tpu.vector_store %arg9[%parallel_loop3A_233], %parallel_loop3A_227 masked %parallel_loop3A_232 {strides = array<i32>} : memref<6432xi32, #tpu.memory_space<vmem>>, vector<16xi32>, vector<16xi1>
        %parallel_loop3A_235 = arith.index_cast %parallel_loop3A_219 : i32 to index
        %parallel_loop3A_236 = tpu.vector_load %arg10[%parallel_loop3A_235] masked %parallel_loop3A_232 {strides = array<i32>} : memref<6432xi32, #tpu.memory_space<vmem>>, vector<16xi32>, vector<16xi1>
        tpu.vector_store %arg10[%parallel_loop3A_235], %parallel_loop3A_229 masked %parallel_loop3A_232 {strides = array<i32>} : memref<6432xi32, #tpu.memory_space<vmem>>, vector<16xi32>, vector<16xi1>
        %parallel_loop3A_237 = tpu.all_reduce %parallel_loop3A_232 {dim = 0 : i64, kind = #tpu.reduction_kind<sum>} : vector<16xi1> -> vector<16xi32>
        %parallel_loop3A_238 = vector.extract_strided_slice %parallel_loop3A_237 {offsets = [0], sizes = [1], strides = [1]} : vector<16xi32> to vector<1xi32>
        %parallel_loop3A_239 = vector.extract %parallel_loop3A_238[0] : i32 from vector<1xi32>
        %parallel_loop3A_240 = arith.addi %parallel_loop3A_219, %parallel_loop3A_239 : i32
        scf.yield %parallel_loop3A_240 : i32
      } {sc.loop_unroll_factor = 1 : i64, sc.parallel_access}
      %add3A_152 = arith.constant 32 : i32
      %add3A_153 = arith.addi %parallel_loop3A_151, %add3A_152 : i32
      %sub3A = arith.constant 1 : i32
      %sub3A_154 = arith.subi %add3A_153, %sub3A : i32
      %jit3A = arith.constant 32 : i32
      %div3A = arith.divsi %sub3A_154, %jit3A : i32
      %sign3A = arith.constant 0 : i32
      %sign3A_155 = arith.cmpi sgt, %sub3A_154, %sign3A : i32
      %sign3A_156 = arith.extui %sign3A_155 : i1 to i32
      %sign3A_157 = arith.constant 0 : i32
      %sign3A_158 = arith.cmpi slt, %sub3A_154, %sign3A_157 : i32
      %sign3A_159 = arith.extui %sign3A_158 : i1 to i32
      %sign3A_160 = arith.subi %sign3A_156, %sign3A_159 : i32
      %sign3A_161 = arith.constant 0 : i32
      %sign3A_162 = arith.cmpi sgt, %jit3A, %sign3A_161 : i32
      %sign3A_163 = arith.extui %sign3A_162 : i1 to i32
      %sign3A_164 = arith.constant 0 : i32
      %sign3A_165 = arith.cmpi slt, %jit3A, %sign3A_164 : i32
      %sign3A_166 = arith.extui %sign3A_165 : i1 to i32
      %sign3A_167 = arith.subi %sign3A_163, %sign3A_166 : i32
      %ne3A = arith.cmpi ne, %sign3A_160, %sign3A_167 : i32
      %rem3A = arith.remsi %sub3A_154, %jit3A : i32
      %ne3A_168 = arith.constant 0 : i32
      %ne3A_169 = arith.cmpi ne, %rem3A, %ne3A_168 : i32
      %and3A = arith.andi %ne3A, %ne3A_169 : i1
      %sub3A_170 = arith.constant 1 : i32
      %sub3A_171 = arith.subi %div3A, %sub3A_170 : i32
      %select_n3A = arith.select %and3A, %sub3A_171, %div3A : i32
      %gt3A = arith.constant 0 : i32
      %gt3A_172 = arith.cmpi sgt, %select_n3A, %gt3A : i32
      %convert_element_type3A = arith.extui %gt3A_172 : i1 to i32
      %cond3A = arith.constant 0 : i32
      %cond3A_173 = arith.cmpi ne, %convert_element_type3A, %cond3A : i32
      scf.if %cond3A_173 {
        %dma_start3A = arith.constant 0 : i32
        %dma_start3A_218 = tpu.memref_slice %arg9[%dma_start3A] : memref<6432xi32, #tpu.memory_space<vmem>> -> memref<32xi32, #tpu.memory_space<vmem>>
        %dma_start3A_219 = arith.constant 0 : i32
        %dma_start3A_220 = arith.constant 0 : i32
        %dma_start3A_221 = tpu.memref_slice %arg2[%dma_start3A_219, %dma_start3A_220] : memref<10000x256xf32, #tpu.memory_space<hbm>> -> memref<10000x256xf32, #tpu.memory_space<hbm>>
        tpu.enqueue_indirect_dma source(%dma_start3A_221 : memref<10000x256xf32, #tpu.memory_space<hbm>>) target(%arg11 : memref<32x256xf32, #tpu.memory_space<vmem>>) offsets(%dma_start3A_218 : memref<32xi32, #tpu.memory_space<vmem>>) semaphore(%arg13 : memref<!tpu.dma_semaphore, #tpu.memory_space<semaphore_mem>>)
      } else {
      }
      %add3A_174 = arith.constant 1 : i32
      %add3A_175 = arith.addi %select_n3A, %add3A_174 : i32
      %jit3A_176 = arith.constant 2 : i32
      %div3A_177 = arith.divsi %add3A_175, %jit3A_176 : i32
      %sign3A_178 = arith.constant 0 : i32
      %sign3A_179 = arith.cmpi sgt, %add3A_175, %sign3A_178 : i32
      %sign3A_180 = arith.extui %sign3A_179 : i1 to i32
      %sign3A_181 = arith.constant 0 : i32
      %sign3A_182 = arith.cmpi slt, %add3A_175, %sign3A_181 : i32
      %sign3A_183 = arith.extui %sign3A_182 : i1 to i32
      %sign3A_184 = arith.subi %sign3A_180, %sign3A_183 : i32
      %sign3A_185 = arith.constant 0 : i32
      %sign3A_186 = arith.cmpi sgt, %jit3A_176, %sign3A_185 : i32
      %sign3A_187 = arith.extui %sign3A_186 : i1 to i32
      %sign3A_188 = arith.constant 0 : i32
      %sign3A_189 = arith.cmpi slt, %jit3A_176, %sign3A_188 : i32
      %sign3A_190 = arith.extui %sign3A_189 : i1 to i32
      %sign3A_191 = arith.subi %sign3A_187, %sign3A_190 : i32
      %ne3A_192 = arith.cmpi ne, %sign3A_184, %sign3A_191 : i32
      %rem3A_193 = arith.remsi %add3A_175, %jit3A_176 : i32
      %ne3A_194 = arith.constant 0 : i32
      %ne3A_195 = arith.cmpi ne, %rem3A_193, %ne3A_194 : i32
      %and3A_196 = arith.andi %ne3A_192, %ne3A_195 : i1
      %sub3A_197 = arith.constant 1 : i32
      %sub3A_198 = arith.subi %div3A_177, %sub3A_197 : i32
      %select_n3A_199 = arith.select %and3A_196, %sub3A_198, %div3A_177 : i32
      %sub3A_200 = arith.constant 0 : i32
      %sub3A_201 = arith.subi %select_n3A_199, %sub3A_200 : i32
      %sub3A_202 = arith.constant 1 : i32
      %sub3A_203 = arith.constant 1 : i32
      %sub3A_204 = arith.subi %sub3A_202, %sub3A_203 : i32
      %add3A_205 = arith.addi %sub3A_201, %sub3A_204 : i32
      %div3A_206 = arith.constant 1 : i32
      %div3A_207 = arith.divsi %add3A_205, %div3A_206 : i32
      %while3A = arith.constant 1 : i32
      %while3A_208 = arith.constant 0 : i32
      %while3A_209 = arith.constant 0 : i32
      %while3A_210 = arith.subi %div3A_207, %while3A_209 : i32
      %while3A_211 = arith.addi %while3A_209, %while3A_210 : i32
      %while3A_212 = arith.constant 1 : i32
      %while3A_213 = arith.divsi %while3A_210, %while3A_212 : i32
      %while3A_214 = arith.muli %while3A_213, %while3A_212 : i32
      %while3A_215 = arith.addi %while3A_209, %while3A_214 : i32
      %while3A_216 = arith.constant 1 : i32
      scf.for %while3A_218 = %while3A_209 to %while3A_215 step %while3A_216  : i32 {
        %mul3A_219 = arith.muli %while3A_218, %while3A : i32
        %add3A_220 = arith.addi %while3A_208, %mul3A_219 : i32
        %mul3A_221 = arith.constant 2 : i32
        %mul3A_222 = arith.muli %mul3A_221, %add3A_220 : i32
        %add3A_223 = arith.constant 1 : i32
        %add3A_224 = arith.addi %mul3A_222, %add3A_223 : i32
        %lt3A = arith.cmpi slt, %add3A_224, %select_n3A : i32
        %convert_element_type3A_225 = arith.extui %lt3A : i1 to i32
        %cond3A_226 = arith.constant 0 : i32
        %cond3A_227 = arith.cmpi ne, %convert_element_type3A_225, %cond3A_226 : i32
        scf.if %cond3A_227 {
          %mul3A_249 = arith.constant 32 : i32
          %mul3A_250 = arith.muli %add3A_224, %mul3A_249 : i32
          %dma_start3A = tpu.memref_slice %arg9[%mul3A_250] : memref<6432xi32, #tpu.memory_space<vmem>> -> memref<32xi32, #tpu.memory_space<vmem>>
          %dma_start3A_251 = arith.constant 0 : i32
          %dma_start3A_252 = arith.constant 0 : i32
          %dma_start3A_253 = tpu.memref_slice %arg2[%dma_start3A_251, %dma_start3A_252] : memref<10000x256xf32, #tpu.memory_space<hbm>> -> memref<10000x256xf32, #tpu.memory_space<hbm>>
          tpu.enqueue_indirect_dma source(%dma_start3A_253 : memref<10000x256xf32, #tpu.memory_space<hbm>>) target(%arg12 : memref<32x256xf32, #tpu.memory_space<vmem>>) offsets(%dma_start3A : memref<32xi32, #tpu.memory_space<vmem>>) semaphore(%arg14 : memref<!tpu.dma_semaphore, #tpu.memory_space<semaphore_mem>>)
        } else {
        }
        %mul3A_228 = arith.constant 32 : i32
        %mul3A_229 = arith.muli %mul3A_222, %mul3A_228 : i32
        %dma_wait3A = tpu.memref_slice %arg9[%mul3A_229] : memref<6432xi32, #tpu.memory_space<vmem>> -> memref<32xi32, #tpu.memory_space<vmem>>
        %dma_wait3A_230 = arith.constant 0 : i32
        %dma_wait3A_231 = arith.constant 0 : i32
        %dma_wait3A_232 = tpu.memref_slice %arg2[%dma_wait3A_230, %dma_wait3A_231] : memref<10000x256xf32, #tpu.memory_space<hbm>> -> memref<10000x256xf32, #tpu.memory_space<hbm>>
        tpu.wait_indirect_dma semaphore(%arg13 : memref<!tpu.dma_semaphore, #tpu.memory_space<semaphore_mem>>) src(%dma_wait3A_232 : memref<10000x256xf32, #tpu.memory_space<hbm>>) dst(%arg11 : memref<32x256xf32, #tpu.memory_space<vmem>>)
        %mul3A_233 = arith.constant 32 : i32
        %mul3A_234 = arith.muli %mul3A_222, %mul3A_233 : i32
        %sub3A_235 = arith.subi %parallel_loop3A_151, %mul3A_234 : i32
        %min3A = arith.constant 32 : i32
        %min3A_236 = arith.minsi %min3A, %sub3A_235 : i32
        %parallel_loop3A_237 = arith.constant 0 : i32
        %parallel_loop3A_238 = arith.constant 1 : i32
        scf.for %parallel_loop3A_249 = %parallel_loop3A_237 to %min3A_236 step %parallel_loop3A_238  : i32 {
          %parallel_loop3A_250 = arith.constant 32 : i32
          %parallel_loop3A_251 = arith.muli %mul3A_222, %parallel_loop3A_250 : i32
          %parallel_loop3A_252 = arith.addi %parallel_loop3A_251, %parallel_loop3A_249 : i32
          %parallel_loop3A_253 = arith.index_cast %parallel_loop3A_252 : i32 to index
          %parallel_loop3A_254 = tpu.vector_load %arg10[%parallel_loop3A_253] {strides = array<i32>} : memref<6432xi32, #tpu.memory_space<vmem>>, vector<16xi32>,
          %parallel_loop3A_255 = vector.extract_strided_slice %parallel_loop3A_254 {offsets = [0], sizes = [1], strides = [1]} : vector<16xi32> to vector<1xi32>
          %parallel_loop3A_256 = vector.extract %parallel_loop3A_255[0] : i32 from vector<1xi32>
          %parallel_loop3A_257 = arith.index_cast %parallel_loop3A_249 : i32 to index
          %parallel_loop3A_258 = arith.constant 0 : index
          %parallel_loop3A_259 = tpu.vector_load %arg11[%parallel_loop3A_257, %parallel_loop3A_258] {strides = array<i32>} : memref<32x256xf32, #tpu.memory_space<vmem>>, vector<16xf32>,
          %parallel_loop3A_260 = arith.index_cast %parallel_loop3A_256 : i32 to index
          %parallel_loop3A_261 = arith.constant 0 : index
          %parallel_loop3A_262 = tpu.vector_load %arg15[%parallel_loop3A_260, %parallel_loop3A_261] {strides = array<i32>} : memref<320x256xf32, #tpu.memory_space<vmem>>, vector<16xf32>,
          tpu.vector_store %arg15[%parallel_loop3A_260, %parallel_loop3A_261], %parallel_loop3A_259 {add = true, strides = array<i32>} : memref<320x256xf32, #tpu.memory_space<vmem>>, vector<16xf32>,
          %parallel_loop3A_263 = arith.index_cast %parallel_loop3A_249 : i32 to index
          %parallel_loop3A_264 = arith.constant 16 : index
          %parallel_loop3A_265 = tpu.vector_load %arg11[%parallel_loop3A_263, %parallel_loop3A_264] {strides = array<i32>} : memref<32x256xf32, #tpu.memory_space<vmem>>, vector<16xf32>,
          %parallel_loop3A_266 = arith.index_cast %parallel_loop3A_256 : i32 to index
          %parallel_loop3A_267 = arith.constant 16 : index
          %parallel_loop3A_268 = tpu.vector_load %arg15[%parallel_loop3A_266, %parallel_loop3A_267] {strides = array<i32>} : memref<320x256xf32, #tpu.memory_space<vmem>>, vector<16xf32>,
          tpu.vector_store %arg15[%parallel_loop3A_266, %parallel_loop3A_267], %parallel_loop3A_265 {add = true, strides = array<i32>} : memref<320x256xf32, #tpu.memory_space<vmem>>, vector<16xf32>,
          %parallel_loop3A_269 = arith.index_cast %parallel_loop3A_249 : i32 to index
          %parallel_loop3A_270 = arith.constant 32 : index
          %parallel_loop3A_271 = tpu.vector_load %arg11[%parallel_loop3A_269, %parallel_loop3A_270] {strides = array<i32>} : memref<32x256xf32, #tpu.memory_space<vmem>>, vector<16xf32>,
          %parallel_loop3A_272 = arith.index_cast %parallel_loop3A_256 : i32 to index
          %parallel_loop3A_273 = arith.constant 32 : index
          %parallel_loop3A_274 = tpu.vector_load %arg15[%parallel_loop3A_272, %parallel_loop3A_273] {strides = array<i32>} : memref<320x256xf32, #tpu.memory_space<vmem>>, vector<16xf32>,
          tpu.vector_store %arg15[%parallel_loop3A_272, %parallel_loop3A_273], %parallel_loop3A_271 {add = true, strides = array<i32>} : memref<320x256xf32, #tpu.memory_space<vmem>>, vector<16xf32>,
          %parallel_loop3A_275 = arith.index_cast %parallel_loop3A_249 : i32 to index
          %parallel_loop3A_276 = arith.constant 48 : index
          %parallel_loop3A_277 = tpu.vector_load %arg11[%parallel_loop3A_275, %parallel_loop3A_276] {strides = array<i32>} : memref<32x256xf32, #tpu.memory_space<vmem>>, vector<16xf32>,
          %parallel_loop3A_278 = arith.index_cast %parallel_loop3A_256 : i32 to index
          %parallel_loop3A_279 = arith.constant 48 : index
          %parallel_loop3A_280 = tpu.vector_load %arg15[%parallel_loop3A_278, %parallel_loop3A_279] {strides = array<i32>} : memref<320x256xf32, #tpu.memory_space<vmem>>, vector<16xf32>,
          tpu.vector_store %arg15[%parallel_loop3A_278, %parallel_loop3A_279], %parallel_loop3A_277 {add = true, strides = array<i32>} : memref<320x256xf32, #tpu.memory_space<vmem>>, vector<16xf32>,
          %parallel_loop3A_281 = arith.index_cast %parallel_loop3A_249 : i32 to index
          %parallel_loop3A_282 = arith.constant 64 : index
          %parallel_loop3A_283 = tpu.vector_load %arg11[%parallel_loop3A_281, %parallel_loop3A_282] {strides = array<i32>} : memref<32x256xf32, #tpu.memory_space<vmem>>, vector<16xf32>,
          %parallel_loop3A_284 = arith.index_cast %parallel_loop3A_256 : i32 to index
          %parallel_loop3A_285 = arith.constant 64 : index
          %parallel_loop3A_286 = tpu.vector_load %arg15[%parallel_loop3A_284, %parallel_loop3A_285] {strides = array<i32>} : memref<320x256xf32, #tpu.memory_space<vmem>>, vector<16xf32>,
          tpu.vector_store %arg15[%parallel_loop3A_284, %parallel_loop3A_285], %parallel_loop3A_283 {add = true, strides = array<i32>} : memref<320x256xf32, #tpu.memory_space<vmem>>, vector<16xf32>,
          %parallel_loop3A_287 = arith.index_cast %parallel_loop3A_249 : i32 to index
          %parallel_loop3A_288 = arith.constant 80 : index
          %parallel_loop3A_289 = tpu.vector_load %arg11[%parallel_loop3A_287, %parallel_loop3A_288] {strides = array<i32>} : memref<32x256xf32, #tpu.memory_space<vmem>>, vector<16xf32>,
          %parallel_loop3A_290 = arith.index_cast %parallel_loop3A_256 : i32 to index
          %parallel_loop3A_291 = arith.constant 80 : index
          %parallel_loop3A_292 = tpu.vector_load %arg15[%parallel_loop3A_290, %parallel_loop3A_291] {strides = array<i32>} : memref<320x256xf32, #tpu.memory_space<vmem>>, vector<16xf32>,
          tpu.vector_store %arg15[%parallel_loop3A_290, %parallel_loop3A_291], %parallel_loop3A_289 {add = true, strides = array<i32>} : memref<320x256xf32, #tpu.memory_space<vmem>>, vector<16xf32>,
          %parallel_loop3A_293 = arith.index_cast %parallel_loop3A_249 : i32 to index
          %parallel_loop3A_294 = arith.constant 96 : index
          %parallel_loop3A_295 = tpu.vector_load %arg11[%parallel_loop3A_293, %parallel_loop3A_294] {strides = array<i32>} : memref<32x256xf32, #tpu.memory_space<vmem>>, vector<16xf32>,
          %parallel_loop3A_296 = arith.index_cast %parallel_loop3A_256 : i32 to index
          %parallel_loop3A_297 = arith.constant 96 : index
          %parallel_loop3A_298 = tpu.vector_load %arg15[%parallel_loop3A_296, %parallel_loop3A_297] {strides = array<i32>} : memref<320x256xf32, #tpu.memory_space<vmem>>, vector<16xf32>,
          tpu.vector_store %arg15[%parallel_loop3A_296, %parallel_loop3A_297], %parallel_loop3A_295 {add = true, strides = array<i32>} : memref<320x256xf32, #tpu.memory_space<vmem>>, vector<16xf32>,
          %parallel_loop3A_299 = arith.index_cast %parallel_loop3A_249 : i32 to index
          %parallel_loop3A_300 = arith.constant 112 : index
          %parallel_loop3A_301 = tpu.vector_load %arg11[%parallel_loop3A_299, %parallel_loop3A_300] {strides = array<i32>} : memref<32x256xf32, #tpu.memory_space<vmem>>, vector<16xf32>,
          %parallel_loop3A_302 = arith.index_cast %parallel_loop3A_256 : i32 to index
          %parallel_loop3A_303 = arith.constant 112 : index
          %parallel_loop3A_304 = tpu.vector_load %arg15[%parallel_loop3A_302, %parallel_loop3A_303] {strides = array<i32>} : memref<320x256xf32, #tpu.memory_space<vmem>>, vector<16xf32>,
          tpu.vector_store %arg15[%parallel_loop3A_302, %parallel_loop3A_303], %parallel_loop3A_301 {add = true, strides = array<i32>} : memref<320x256xf32, #tpu.memory_space<vmem>>, vector<16xf32>,
          %parallel_loop3A_305 = arith.index_cast %parallel_loop3A_249 : i32 to index
          %parallel_loop3A_306 = arith.constant 128 : index
          %parallel_loop3A_307 = tpu.vector_load %arg11[%parallel_loop3A_305, %parallel_loop3A_306] {strides = array<i32>} : memref<32x256xf32, #tpu.memory_space<vmem>>, vector<16xf32>,
          %parallel_loop3A_308 = arith.index_cast %parallel_loop3A_256 : i32 to index
          %parallel_loop3A_309 = arith.constant 128 : index
          %parallel_loop3A_310 = tpu.vector_load %arg15[%parallel_loop3A_308, %parallel_loop3A_309] {strides = array<i32>} : memref<320x256xf32, #tpu.memory_space<vmem>>, vector<16xf32>,
          tpu.vector_store %arg15[%parallel_loop3A_308, %parallel_loop3A_309], %parallel_loop3A_307 {add = true, strides = array<i32>} : memref<320x256xf32, #tpu.memory_space<vmem>>, vector<16xf32>,
          %parallel_loop3A_311 = arith.index_cast %parallel_loop3A_249 : i32 to index
          %parallel_loop3A_312 = arith.constant 144 : index
          %parallel_loop3A_313 = tpu.vector_load %arg11[%parallel_loop3A_311, %parallel_loop3A_312] {strides = array<i32>} : memref<32x256xf32, #tpu.memory_space<vmem>>, vector<16xf32>,
          %parallel_loop3A_314 = arith.index_cast %parallel_loop3A_256 : i32 to index
          %parallel_loop3A_315 = arith.constant 144 : index
          %parallel_loop3A_316 = tpu.vector_load %arg15[%parallel_loop3A_314, %parallel_loop3A_315] {strides = array<i32>} : memref<320x256xf32, #tpu.memory_space<vmem>>, vector<16xf32>,
          tpu.vector_store %arg15[%parallel_loop3A_314, %parallel_loop3A_315], %parallel_loop3A_313 {add = true, strides = array<i32>} : memref<320x256xf32, #tpu.memory_space<vmem>>, vector<16xf32>,
          %parallel_loop3A_317 = arith.index_cast %parallel_loop3A_249 : i32 to index
          %parallel_loop3A_318 = arith.constant 160 : index
          %parallel_loop3A_319 = tpu.vector_load %arg11[%parallel_loop3A_317, %parallel_loop3A_318] {strides = array<i32>} : memref<32x256xf32, #tpu.memory_space<vmem>>, vector<16xf32>,
          %parallel_loop3A_320 = arith.index_cast %parallel_loop3A_256 : i32 to index
          %parallel_loop3A_321 = arith.constant 160 : index
          %parallel_loop3A_322 = tpu.vector_load %arg15[%parallel_loop3A_320, %parallel_loop3A_321] {strides = array<i32>} : memref<320x256xf32, #tpu.memory_space<vmem>>, vector<16xf32>,
          tpu.vector_store %arg15[%parallel_loop3A_320, %parallel_loop3A_321], %parallel_loop3A_319 {add = true, strides = array<i32>} : memref<320x256xf32, #tpu.memory_space<vmem>>, vector<16xf32>,
          %parallel_loop3A_323 = arith.index_cast %parallel_loop3A_249 : i32 to index
          %parallel_loop3A_324 = arith.constant 176 : index
          %parallel_loop3A_325 = tpu.vector_load %arg11[%parallel_loop3A_323, %parallel_loop3A_324] {strides = array<i32>} : memref<32x256xf32, #tpu.memory_space<vmem>>, vector<16xf32>,
          %parallel_loop3A_326 = arith.index_cast %parallel_loop3A_256 : i32 to index
          %parallel_loop3A_327 = arith.constant 176 : index
          %parallel_loop3A_328 = tpu.vector_load %arg15[%parallel_loop3A_326, %parallel_loop3A_327] {strides = array<i32>} : memref<320x256xf32, #tpu.memory_space<vmem>>, vector<16xf32>,
          tpu.vector_store %arg15[%parallel_loop3A_326, %parallel_loop3A_327], %parallel_loop3A_325 {add = true, strides = array<i32>} : memref<320x256xf32, #tpu.memory_space<vmem>>, vector<16xf32>,
          %parallel_loop3A_329 = arith.index_cast %parallel_loop3A_249 : i32 to index
          %parallel_loop3A_330 = arith.constant 192 : index
          %parallel_loop3A_331 = tpu.vector_load %arg11[%parallel_loop3A_329, %parallel_loop3A_330] {strides = array<i32>} : memref<32x256xf32, #tpu.memory_space<vmem>>, vector<16xf32>,
          %parallel_loop3A_332 = arith.index_cast %parallel_loop3A_256 : i32 to index
          %parallel_loop3A_333 = arith.constant 192 : index
          %parallel_loop3A_334 = tpu.vector_load %arg15[%parallel_loop3A_332, %parallel_loop3A_333] {strides = array<i32>} : memref<320x256xf32, #tpu.memory_space<vmem>>, vector<16xf32>,
          tpu.vector_store %arg15[%parallel_loop3A_332, %parallel_loop3A_333], %parallel_loop3A_331 {add = true, strides = array<i32>} : memref<320x256xf32, #tpu.memory_space<vmem>>, vector<16xf32>,
          %parallel_loop3A_335 = arith.index_cast %parallel_loop3A_249 : i32 to index
          %parallel_loop3A_336 = arith.constant 208 : index
          %parallel_loop3A_337 = tpu.vector_load %arg11[%parallel_loop3A_335, %parallel_loop3A_336] {strides = array<i32>} : memref<32x256xf32, #tpu.memory_space<vmem>>, vector<16xf32>,
          %parallel_loop3A_338 = arith.index_cast %parallel_loop3A_256 : i32 to index
          %parallel_loop3A_339 = arith.constant 208 : index
          %parallel_loop3A_340 = tpu.vector_load %arg15[%parallel_loop3A_338, %parallel_loop3A_339] {strides = array<i32>} : memref<320x256xf32, #tpu.memory_space<vmem>>, vector<16xf32>,
          tpu.vector_store %arg15[%parallel_loop3A_338, %parallel_loop3A_339], %parallel_loop3A_337 {add = true, strides = array<i32>} : memref<320x256xf32, #tpu.memory_space<vmem>>, vector<16xf32>,
          %parallel_loop3A_341 = arith.index_cast %parallel_loop3A_249 : i32 to index
          %parallel_loop3A_342 = arith.constant 224 : index
          %parallel_loop3A_343 = tpu.vector_load %arg11[%parallel_loop3A_341, %parallel_loop3A_342] {strides = array<i32>} : memref<32x256xf32, #tpu.memory_space<vmem>>, vector<16xf32>,
          %parallel_loop3A_344 = arith.index_cast %parallel_loop3A_256 : i32 to index
          %parallel_loop3A_345 = arith.constant 224 : index
          %parallel_loop3A_346 = tpu.vector_load %arg15[%parallel_loop3A_344, %parallel_loop3A_345] {strides = array<i32>} : memref<320x256xf32, #tpu.memory_space<vmem>>, vector<16xf32>,
          tpu.vector_store %arg15[%parallel_loop3A_344, %parallel_loop3A_345], %parallel_loop3A_343 {add = true, strides = array<i32>} : memref<320x256xf32, #tpu.memory_space<vmem>>, vector<16xf32>,
          %parallel_loop3A_347 = arith.index_cast %parallel_loop3A_249 : i32 to index
          %parallel_loop3A_348 = arith.constant 240 : index
          %parallel_loop3A_349 = tpu.vector_load %arg11[%parallel_loop3A_347, %parallel_loop3A_348] {strides = array<i32>} : memref<32x256xf32, #tpu.memory_space<vmem>>, vector<16xf32>,
          %parallel_loop3A_350 = arith.index_cast %parallel_loop3A_256 : i32 to index
          %parallel_loop3A_351 = arith.constant 240 : index
          %parallel_loop3A_352 = tpu.vector_load %arg15[%parallel_loop3A_350, %parallel_loop3A_351] {strides = array<i32>} : memref<320x256xf32, #tpu.memory_space<vmem>>, vector<16xf32>,
          tpu.vector_store %arg15[%parallel_loop3A_350, %parallel_loop3A_351], %parallel_loop3A_349 {add = true, strides = array<i32>} : memref<320x256xf32, #tpu.memory_space<vmem>>, vector<16xf32>,
          %parallel_loop3A_353 = vector.broadcast %parallel_loop3A_256 : i32 to vector<16xi32>
          tpu.vector_store_idx %arg16[%parallel_loop3A_353], %broadcast_in_dim3A_5 masked %eq3A_7 {add = true} : memref<336xf32, #tpu.memory_space<vmem>>[vector<16xi32>], vector<16xf32>, vector<16xi1>
        } {sc.loop_unroll_factor = 1 : i64, sc.parallel_access}
        %add3A_239 = arith.constant 1 : i32
        %add3A_240 = arith.addi %add3A_224, %add3A_239 : i32
        %lt3A_241 = arith.cmpi slt, %add3A_240, %select_n3A : i32
        %convert_element_type3A_242 = arith.extui %lt3A_241 : i1 to i32
        %cond3A_243 = arith.constant 0 : i32
        %cond3A_244 = arith.cmpi ne, %convert_element_type3A_242, %cond3A_243 : i32
        scf.if %cond3A_244 {
          %add3A_249 = arith.constant 1 : i32
          %add3A_250 = arith.addi %add3A_224, %add3A_249 : i32
          %mul3A_251 = arith.constant 32 : i32
          %mul3A_252 = arith.muli %add3A_250, %mul3A_251 : i32
          %dma_start3A = tpu.memref_slice %arg9[%mul3A_252] : memref<6432xi32, #tpu.memory_space<vmem>> -> memref<32xi32, #tpu.memory_space<vmem>>
          %dma_start3A_253 = arith.constant 0 : i32
          %dma_start3A_254 = arith.constant 0 : i32
          %dma_start3A_255 = tpu.memref_slice %arg2[%dma_start3A_253, %dma_start3A_254] : memref<10000x256xf32, #tpu.memory_space<hbm>> -> memref<10000x256xf32, #tpu.memory_space<hbm>>
          tpu.enqueue_indirect_dma source(%dma_start3A_255 : memref<10000x256xf32, #tpu.memory_space<hbm>>) target(%arg11 : memref<32x256xf32, #tpu.memory_space<vmem>>) offsets(%dma_start3A : memref<32xi32, #tpu.memory_space<vmem>>) semaphore(%arg13 : memref<!tpu.dma_semaphore, #tpu.memory_space<semaphore_mem>>)
        } else {
        }
        %lt3A_245 = arith.cmpi slt, %add3A_224, %select_n3A : i32
        %convert_element_type3A_246 = arith.extui %lt3A_245 : i1 to i32
        %cond3A_247 = arith.constant 0 : i32
        %cond3A_248 = arith.cmpi ne, %convert_element_type3A_246, %cond3A_247 : i32
        scf.if %cond3A_248 {
          %mul3A_249 = arith.constant 32 : i32
          %mul3A_250 = arith.muli %add3A_224, %mul3A_249 : i32
          %dma_wait3A_251 = tpu.memref_slice %arg9[%mul3A_250] : memref<6432xi32, #tpu.memory_space<vmem>> -> memref<32xi32, #tpu.memory_space<vmem>>
          %dma_wait3A_252 = arith.constant 0 : i32
          %dma_wait3A_253 = arith.constant 0 : i32
          %dma_wait3A_254 = tpu.memref_slice %arg2[%dma_wait3A_252, %dma_wait3A_253] : memref<10000x256xf32, #tpu.memory_space<hbm>> -> memref<10000x256xf32, #tpu.memory_space<hbm>>
          tpu.wait_indirect_dma semaphore(%arg14 : memref<!tpu.dma_semaphore, #tpu.memory_space<semaphore_mem>>) src(%dma_wait3A_254 : memref<10000x256xf32, #tpu.memory_space<hbm>>) dst(%arg12 : memref<32x256xf32, #tpu.memory_space<vmem>>)
          %mul3A_255 = arith.constant 32 : i32
          %mul3A_256 = arith.muli %add3A_224, %mul3A_255 : i32
          %sub3A_257 = arith.subi %parallel_loop3A_151, %mul3A_256 : i32
          %min3A_258 = arith.constant 32 : i32
          %min3A_259 = arith.minsi %min3A_258, %sub3A_257 : i32
          %parallel_loop3A_260 = arith.constant 0 : i32
          %parallel_loop3A_261 = arith.constant 1 : i32
          scf.for %parallel_loop3A_262 = %parallel_loop3A_260 to %min3A_259 step %parallel_loop3A_261  : i32 {
            %parallel_loop3A_263 = arith.constant 32 : i32
            %parallel_loop3A_264 = arith.muli %add3A_224, %parallel_loop3A_263 : i32
            %parallel_loop3A_265 = arith.addi %parallel_loop3A_264, %parallel_loop3A_262 : i32
            %parallel_loop3A_266 = arith.index_cast %parallel_loop3A_265 : i32 to index
            %parallel_loop3A_267 = tpu.vector_load %arg10[%parallel_loop3A_266] {strides = array<i32>} : memref<6432xi32, #tpu.memory_space<vmem>>, vector<16xi32>,
            %parallel_loop3A_268 = vector.extract_strided_slice %parallel_loop3A_267 {offsets = [0], sizes = [1], strides = [1]} : vector<16xi32> to vector<1xi32>
            %parallel_loop3A_269 = vector.extract %parallel_loop3A_268[0] : i32 from vector<1xi32>
            %parallel_loop3A_270 = arith.index_cast %parallel_loop3A_262 : i32 to index
            %parallel_loop3A_271 = arith.constant 0 : index
            %parallel_loop3A_272 = tpu.vector_load %arg12[%parallel_loop3A_270, %parallel_loop3A_271] {strides = array<i32>} : memref<32x256xf32, #tpu.memory_space<vmem>>, vector<16xf32>,
            %parallel_loop3A_273 = arith.index_cast %parallel_loop3A_269 : i32 to index
            %parallel_loop3A_274 = arith.constant 0 : index
            %parallel_loop3A_275 = tpu.vector_load %arg15[%parallel_loop3A_273, %parallel_loop3A_274] {strides = array<i32>} : memref<320x256xf32, #tpu.memory_space<vmem>>, vector<16xf32>,
            tpu.vector_store %arg15[%parallel_loop3A_273, %parallel_loop3A_274], %parallel_loop3A_272 {add = true, strides = array<i32>} : memref<320x256xf32, #tpu.memory_space<vmem>>, vector<16xf32>,
            %parallel_loop3A_276 = arith.index_cast %parallel_loop3A_262 : i32 to index
            %parallel_loop3A_277 = arith.constant 16 : index
            %parallel_loop3A_278 = tpu.vector_load %arg12[%parallel_loop3A_276, %parallel_loop3A_277] {strides = array<i32>} : memref<32x256xf32, #tpu.memory_space<vmem>>, vector<16xf32>,
            %parallel_loop3A_279 = arith.index_cast %parallel_loop3A_269 : i32 to index
            %parallel_loop3A_280 = arith.constant 16 : index
            %parallel_loop3A_281 = tpu.vector_load %arg15[%parallel_loop3A_279, %parallel_loop3A_280] {strides = array<i32>} : memref<320x256xf32, #tpu.memory_space<vmem>>, vector<16xf32>,
            tpu.vector_store %arg15[%parallel_loop3A_279, %parallel_loop3A_280], %parallel_loop3A_278 {add = true, strides = array<i32>} : memref<320x256xf32, #tpu.memory_space<vmem>>, vector<16xf32>,
            %parallel_loop3A_282 = arith.index_cast %parallel_loop3A_262 : i32 to index
            %parallel_loop3A_283 = arith.constant 32 : index
            %parallel_loop3A_284 = tpu.vector_load %arg12[%parallel_loop3A_282, %parallel_loop3A_283] {strides = array<i32>} : memref<32x256xf32, #tpu.memory_space<vmem>>, vector<16xf32>,
            %parallel_loop3A_285 = arith.index_cast %parallel_loop3A_269 : i32 to index
            %parallel_loop3A_286 = arith.constant 32 : index
            %parallel_loop3A_287 = tpu.vector_load %arg15[%parallel_loop3A_285, %parallel_loop3A_286] {strides = array<i32>} : memref<320x256xf32, #tpu.memory_space<vmem>>, vector<16xf32>,
            tpu.vector_store %arg15[%parallel_loop3A_285, %parallel_loop3A_286], %parallel_loop3A_284 {add = true, strides = array<i32>} : memref<320x256xf32, #tpu.memory_space<vmem>>, vector<16xf32>,
            %parallel_loop3A_288 = arith.index_cast %parallel_loop3A_262 : i32 to index
            %parallel_loop3A_289 = arith.constant 48 : index
            %parallel_loop3A_290 = tpu.vector_load %arg12[%parallel_loop3A_288, %parallel_loop3A_289] {strides = array<i32>} : memref<32x256xf32, #tpu.memory_space<vmem>>, vector<16xf32>,
            %parallel_loop3A_291 = arith.index_cast %parallel_loop3A_269 : i32 to index
            %parallel_loop3A_292 = arith.constant 48 : index
            %parallel_loop3A_293 = tpu.vector_load %arg15[%parallel_loop3A_291, %parallel_loop3A_292] {strides = array<i32>} : memref<320x256xf32, #tpu.memory_space<vmem>>, vector<16xf32>,
            tpu.vector_store %arg15[%parallel_loop3A_291, %parallel_loop3A_292], %parallel_loop3A_290 {add = true, strides = array<i32>} : memref<320x256xf32, #tpu.memory_space<vmem>>, vector<16xf32>,
            %parallel_loop3A_294 = arith.index_cast %parallel_loop3A_262 : i32 to index
            %parallel_loop3A_295 = arith.constant 64 : index
            %parallel_loop3A_296 = tpu.vector_load %arg12[%parallel_loop3A_294, %parallel_loop3A_295] {strides = array<i32>} : memref<32x256xf32, #tpu.memory_space<vmem>>, vector<16xf32>,
            %parallel_loop3A_297 = arith.index_cast %parallel_loop3A_269 : i32 to index
            %parallel_loop3A_298 = arith.constant 64 : index
            %parallel_loop3A_299 = tpu.vector_load %arg15[%parallel_loop3A_297, %parallel_loop3A_298] {strides = array<i32>} : memref<320x256xf32, #tpu.memory_space<vmem>>, vector<16xf32>,
            tpu.vector_store %arg15[%parallel_loop3A_297, %parallel_loop3A_298], %parallel_loop3A_296 {add = true, strides = array<i32>} : memref<320x256xf32, #tpu.memory_space<vmem>>, vector<16xf32>,
            %parallel_loop3A_300 = arith.index_cast %parallel_loop3A_262 : i32 to index
            %parallel_loop3A_301 = arith.constant 80 : index
            %parallel_loop3A_302 = tpu.vector_load %arg12[%parallel_loop3A_300, %parallel_loop3A_301] {strides = array<i32>} : memref<32x256xf32, #tpu.memory_space<vmem>>, vector<16xf32>,
            %parallel_loop3A_303 = arith.index_cast %parallel_loop3A_269 : i32 to index
            %parallel_loop3A_304 = arith.constant 80 : index
            %parallel_loop3A_305 = tpu.vector_load %arg15[%parallel_loop3A_303, %parallel_loop3A_304] {strides = array<i32>} : memref<320x256xf32, #tpu.memory_space<vmem>>, vector<16xf32>,
            tpu.vector_store %arg15[%parallel_loop3A_303, %parallel_loop3A_304], %parallel_loop3A_302 {add = true, strides = array<i32>} : memref<320x256xf32, #tpu.memory_space<vmem>>, vector<16xf32>,
            %parallel_loop3A_306 = arith.index_cast %parallel_loop3A_262 : i32 to index
            %parallel_loop3A_307 = arith.constant 96 : index
            %parallel_loop3A_308 = tpu.vector_load %arg12[%parallel_loop3A_306, %parallel_loop3A_307] {strides = array<i32>} : memref<32x256xf32, #tpu.memory_space<vmem>>, vector<16xf32>,
            %parallel_loop3A_309 = arith.index_cast %parallel_loop3A_269 : i32 to index
            %parallel_loop3A_310 = arith.constant 96 : index
            %parallel_loop3A_311 = tpu.vector_load %arg15[%parallel_loop3A_309, %parallel_loop3A_310] {strides = array<i32>} : memref<320x256xf32, #tpu.memory_space<vmem>>, vector<16xf32>,
            tpu.vector_store %arg15[%parallel_loop3A_309, %parallel_loop3A_310], %parallel_loop3A_308 {add = true, strides = array<i32>} : memref<320x256xf32, #tpu.memory_space<vmem>>, vector<16xf32>,
            %parallel_loop3A_312 = arith.index_cast %parallel_loop3A_262 : i32 to index
            %parallel_loop3A_313 = arith.constant 112 : index
            %parallel_loop3A_314 = tpu.vector_load %arg12[%parallel_loop3A_312, %parallel_loop3A_313] {strides = array<i32>} : memref<32x256xf32, #tpu.memory_space<vmem>>, vector<16xf32>,
            %parallel_loop3A_315 = arith.index_cast %parallel_loop3A_269 : i32 to index
            %parallel_loop3A_316 = arith.constant 112 : index
            %parallel_loop3A_317 = tpu.vector_load %arg15[%parallel_loop3A_315, %parallel_loop3A_316] {strides = array<i32>} : memref<320x256xf32, #tpu.memory_space<vmem>>, vector<16xf32>,
            tpu.vector_store %arg15[%parallel_loop3A_315, %parallel_loop3A_316], %parallel_loop3A_314 {add = true, strides = array<i32>} : memref<320x256xf32, #tpu.memory_space<vmem>>, vector<16xf32>,
            %parallel_loop3A_318 = arith.index_cast %parallel_loop3A_262 : i32 to index
            %parallel_loop3A_319 = arith.constant 128 : index
            %parallel_loop3A_320 = tpu.vector_load %arg12[%parallel_loop3A_318, %parallel_loop3A_319] {strides = array<i32>} : memref<32x256xf32, #tpu.memory_space<vmem>>, vector<16xf32>,
            %parallel_loop3A_321 = arith.index_cast %parallel_loop3A_269 : i32 to index
            %parallel_loop3A_322 = arith.constant 128 : index
            %parallel_loop3A_323 = tpu.vector_load %arg15[%parallel_loop3A_321, %parallel_loop3A_322] {strides = array<i32>} : memref<320x256xf32, #tpu.memory_space<vmem>>, vector<16xf32>,
            tpu.vector_store %arg15[%parallel_loop3A_321, %parallel_loop3A_322], %parallel_loop3A_320 {add = true, strides = array<i32>} : memref<320x256xf32, #tpu.memory_space<vmem>>, vector<16xf32>,
            %parallel_loop3A_324 = arith.index_cast %parallel_loop3A_262 : i32 to index
            %parallel_loop3A_325 = arith.constant 144 : index
            %parallel_loop3A_326 = tpu.vector_load %arg12[%parallel_loop3A_324, %parallel_loop3A_325] {strides = array<i32>} : memref<32x256xf32, #tpu.memory_space<vmem>>, vector<16xf32>,
            %parallel_loop3A_327 = arith.index_cast %parallel_loop3A_269 : i32 to index
            %parallel_loop3A_328 = arith.constant 144 : index
            %parallel_loop3A_329 = tpu.vector_load %arg15[%parallel_loop3A_327, %parallel_loop3A_328] {strides = array<i32>} : memref<320x256xf32, #tpu.memory_space<vmem>>, vector<16xf32>,
            tpu.vector_store %arg15[%parallel_loop3A_327, %parallel_loop3A_328], %parallel_loop3A_326 {add = true, strides = array<i32>} : memref<320x256xf32, #tpu.memory_space<vmem>>, vector<16xf32>,
            %parallel_loop3A_330 = arith.index_cast %parallel_loop3A_262 : i32 to index
            %parallel_loop3A_331 = arith.constant 160 : index
            %parallel_loop3A_332 = tpu.vector_load %arg12[%parallel_loop3A_330, %parallel_loop3A_331] {strides = array<i32>} : memref<32x256xf32, #tpu.memory_space<vmem>>, vector<16xf32>,
            %parallel_loop3A_333 = arith.index_cast %parallel_loop3A_269 : i32 to index
            %parallel_loop3A_334 = arith.constant 160 : index
            %parallel_loop3A_335 = tpu.vector_load %arg15[%parallel_loop3A_333, %parallel_loop3A_334] {strides = array<i32>} : memref<320x256xf32, #tpu.memory_space<vmem>>, vector<16xf32>,
            tpu.vector_store %arg15[%parallel_loop3A_333, %parallel_loop3A_334], %parallel_loop3A_332 {add = true, strides = array<i32>} : memref<320x256xf32, #tpu.memory_space<vmem>>, vector<16xf32>,
            %parallel_loop3A_336 = arith.index_cast %parallel_loop3A_262 : i32 to index
            %parallel_loop3A_337 = arith.constant 176 : index
            %parallel_loop3A_338 = tpu.vector_load %arg12[%parallel_loop3A_336, %parallel_loop3A_337] {strides = array<i32>} : memref<32x256xf32, #tpu.memory_space<vmem>>, vector<16xf32>,
            %parallel_loop3A_339 = arith.index_cast %parallel_loop3A_269 : i32 to index
            %parallel_loop3A_340 = arith.constant 176 : index
            %parallel_loop3A_341 = tpu.vector_load %arg15[%parallel_loop3A_339, %parallel_loop3A_340] {strides = array<i32>} : memref<320x256xf32, #tpu.memory_space<vmem>>, vector<16xf32>,
            tpu.vector_store %arg15[%parallel_loop3A_339, %parallel_loop3A_340], %parallel_loop3A_338 {add = true, strides = array<i32>} : memref<320x256xf32, #tpu.memory_space<vmem>>, vector<16xf32>,
            %parallel_loop3A_342 = arith.index_cast %parallel_loop3A_262 : i32 to index
            %parallel_loop3A_343 = arith.constant 192 : index
            %parallel_loop3A_344 = tpu.vector_load %arg12[%parallel_loop3A_342, %parallel_loop3A_343] {strides = array<i32>} : memref<32x256xf32, #tpu.memory_space<vmem>>, vector<16xf32>,
            %parallel_loop3A_345 = arith.index_cast %parallel_loop3A_269 : i32 to index
            %parallel_loop3A_346 = arith.constant 192 : index
            %parallel_loop3A_347 = tpu.vector_load %arg15[%parallel_loop3A_345, %parallel_loop3A_346] {strides = array<i32>} : memref<320x256xf32, #tpu.memory_space<vmem>>, vector<16xf32>,
            tpu.vector_store %arg15[%parallel_loop3A_345, %parallel_loop3A_346], %parallel_loop3A_344 {add = true, strides = array<i32>} : memref<320x256xf32, #tpu.memory_space<vmem>>, vector<16xf32>,
            %parallel_loop3A_348 = arith.index_cast %parallel_loop3A_262 : i32 to index
            %parallel_loop3A_349 = arith.constant 208 : index
            %parallel_loop3A_350 = tpu.vector_load %arg12[%parallel_loop3A_348, %parallel_loop3A_349] {strides = array<i32>} : memref<32x256xf32, #tpu.memory_space<vmem>>, vector<16xf32>,
            %parallel_loop3A_351 = arith.index_cast %parallel_loop3A_269 : i32 to index
            %parallel_loop3A_352 = arith.constant 208 : index
            %parallel_loop3A_353 = tpu.vector_load %arg15[%parallel_loop3A_351, %parallel_loop3A_352] {strides = array<i32>} : memref<320x256xf32, #tpu.memory_space<vmem>>, vector<16xf32>,
            tpu.vector_store %arg15[%parallel_loop3A_351, %parallel_loop3A_352], %parallel_loop3A_350 {add = true, strides = array<i32>} : memref<320x256xf32, #tpu.memory_space<vmem>>, vector<16xf32>,
            %parallel_loop3A_354 = arith.index_cast %parallel_loop3A_262 : i32 to index
            %parallel_loop3A_355 = arith.constant 224 : index
            %parallel_loop3A_356 = tpu.vector_load %arg12[%parallel_loop3A_354, %parallel_loop3A_355] {strides = array<i32>} : memref<32x256xf32, #tpu.memory_space<vmem>>, vector<16xf32>,
            %parallel_loop3A_357 = arith.index_cast %parallel_loop3A_269 : i32 to index
            %parallel_loop3A_358 = arith.constant 224 : index
            %parallel_loop3A_359 = tpu.vector_load %arg15[%parallel_loop3A_357, %parallel_loop3A_358] {strides = array<i32>} : memref<320x256xf32, #tpu.memory_space<vmem>>, vector<16xf32>,
            tpu.vector_store %arg15[%parallel_loop3A_357, %parallel_loop3A_358], %parallel_loop3A_356 {add = true, strides = array<i32>} : memref<320x256xf32, #tpu.memory_space<vmem>>, vector<16xf32>,
            %parallel_loop3A_360 = arith.index_cast %parallel_loop3A_262 : i32 to index
            %parallel_loop3A_361 = arith.constant 240 : index
            %parallel_loop3A_362 = tpu.vector_load %arg12[%parallel_loop3A_360, %parallel_loop3A_361] {strides = array<i32>} : memref<32x256xf32, #tpu.memory_space<vmem>>, vector<16xf32>,
            %parallel_loop3A_363 = arith.index_cast %parallel_loop3A_269 : i32 to index
            %parallel_loop3A_364 = arith.constant 240 : index
            %parallel_loop3A_365 = tpu.vector_load %arg15[%parallel_loop3A_363, %parallel_loop3A_364] {strides = array<i32>} : memref<320x256xf32, #tpu.memory_space<vmem>>, vector<16xf32>,
            tpu.vector_store %arg15[%parallel_loop3A_363, %parallel_loop3A_364], %parallel_loop3A_362 {add = true, strides = array<i32>} : memref<320x256xf32, #tpu.memory_space<vmem>>, vector<16xf32>,
            %parallel_loop3A_366 = vector.broadcast %parallel_loop3A_269 : i32 to vector<16xi32>
            tpu.vector_store_idx %arg16[%parallel_loop3A_366], %broadcast_in_dim3A_5 masked %eq3A_7 {add = true} : memref<336xf32, #tpu.memory_space<vmem>>[vector<16xi32>], vector<16xf32>, vector<16xi1>
          } {sc.loop_unroll_factor = 1 : i64, sc.parallel_access}
        } else {
        }
      }
      %while3A_217 = arith.constant 1 : i32
      scf.for %while3A_218 = %while3A_215 to %while3A_211 step %while3A_217  : i32 {
        %mul3A_219 = arith.muli %while3A_218, %while3A : i32
        %add3A_220 = arith.addi %while3A_208, %mul3A_219 : i32
        %mul3A_221 = arith.constant 2 : i32
        %mul3A_222 = arith.muli %mul3A_221, %add3A_220 : i32
        %add3A_223 = arith.constant 1 : i32
        %add3A_224 = arith.addi %mul3A_222, %add3A_223 : i32
        %lt3A = arith.cmpi slt, %add3A_224, %select_n3A : i32
        %convert_element_type3A_225 = arith.extui %lt3A : i1 to i32
        %cond3A_226 = arith.constant 0 : i32
        %cond3A_227 = arith.cmpi ne, %convert_element_type3A_225, %cond3A_226 : i32
        scf.if %cond3A_227 {
          %mul3A_249 = arith.constant 32 : i32
          %mul3A_250 = arith.muli %add3A_224, %mul3A_249 : i32
          %dma_start3A = tpu.memref_slice %arg9[%mul3A_250] : memref<6432xi32, #tpu.memory_space<vmem>> -> memref<32xi32, #tpu.memory_space<vmem>>
          %dma_start3A_251 = arith.constant 0 : i32
          %dma_start3A_252 = arith.constant 0 : i32
          %dma_start3A_253 = tpu.memref_slice %arg2[%dma_start3A_251, %dma_start3A_252] : memref<10000x256xf32, #tpu.memory_space<hbm>> -> memref<10000x256xf32, #tpu.memory_space<hbm>>
          tpu.enqueue_indirect_dma source(%dma_start3A_253 : memref<10000x256xf32, #tpu.memory_space<hbm>>) target(%arg12 : memref<32x256xf32, #tpu.memory_space<vmem>>) offsets(%dma_start3A : memref<32xi32, #tpu.memory_space<vmem>>) semaphore(%arg14 : memref<!tpu.dma_semaphore, #tpu.memory_space<semaphore_mem>>)
        } else {
        }
        %mul3A_228 = arith.constant 32 : i32
        %mul3A_229 = arith.muli %mul3A_222, %mul3A_228 : i32
        %dma_wait3A = tpu.memref_slice %arg9[%mul3A_229] : memref<6432xi32, #tpu.memory_space<vmem>> -> memref<32xi32, #tpu.memory_space<vmem>>
        %dma_wait3A_230 = arith.constant 0 : i32
        %dma_wait3A_231 = arith.constant 0 : i32
        %dma_wait3A_232 = tpu.memref_slice %arg2[%dma_wait3A_230, %dma_wait3A_231] : memref<10000x256xf32, #tpu.memory_space<hbm>> -> memref<10000x256xf32, #tpu.memory_space<hbm>>
        tpu.wait_indirect_dma semaphore(%arg13 : memref<!tpu.dma_semaphore, #tpu.memory_space<semaphore_mem>>) src(%dma_wait3A_232 : memref<10000x256xf32, #tpu.memory_space<hbm>>) dst(%arg11 : memref<32x256xf32, #tpu.memory_space<vmem>>)
        %mul3A_233 = arith.constant 32 : i32
        %mul3A_234 = arith.muli %mul3A_222, %mul3A_233 : i32
        %sub3A_235 = arith.subi %parallel_loop3A_151, %mul3A_234 : i32
        %min3A = arith.constant 32 : i32
        %min3A_236 = arith.minsi %min3A, %sub3A_235 : i32
        %parallel_loop3A_237 = arith.constant 0 : i32
        %parallel_loop3A_238 = arith.constant 1 : i32
        scf.for %parallel_loop3A_249 = %parallel_loop3A_237 to %min3A_236 step %parallel_loop3A_238  : i32 {
          %parallel_loop3A_250 = arith.constant 32 : i32
          %parallel_loop3A_251 = arith.muli %mul3A_222, %parallel_loop3A_250 : i32
          %parallel_loop3A_252 = arith.addi %parallel_loop3A_251, %parallel_loop3A_249 : i32
          %parallel_loop3A_253 = arith.index_cast %parallel_loop3A_252 : i32 to index
          %parallel_loop3A_254 = tpu.vector_load %arg10[%parallel_loop3A_253] {strides = array<i32>} : memref<6432xi32, #tpu.memory_space<vmem>>, vector<16xi32>,
          %parallel_loop3A_255 = vector.extract_strided_slice %parallel_loop3A_254 {offsets = [0], sizes = [1], strides = [1]} : vector<16xi32> to vector<1xi32>
          %parallel_loop3A_256 = vector.extract %parallel_loop3A_255[0] : i32 from vector<1xi32>
          %parallel_loop3A_257 = arith.index_cast %parallel_loop3A_249 : i32 to index
          %parallel_loop3A_258 = arith.constant 0 : index
          %parallel_loop3A_259 = tpu.vector_load %arg11[%parallel_loop3A_257, %parallel_loop3A_258] {strides = array<i32>} : memref<32x256xf32, #tpu.memory_space<vmem>>, vector<16xf32>,
          %parallel_loop3A_260 = arith.index_cast %parallel_loop3A_256 : i32 to index
          %parallel_loop3A_261 = arith.constant 0 : index
          %parallel_loop3A_262 = tpu.vector_load %arg15[%parallel_loop3A_260, %parallel_loop3A_261] {strides = array<i32>} : memref<320x256xf32, #tpu.memory_space<vmem>>, vector<16xf32>,
          tpu.vector_store %arg15[%parallel_loop3A_260, %parallel_loop3A_261], %parallel_loop3A_259 {add = true, strides = array<i32>} : memref<320x256xf32, #tpu.memory_space<vmem>>, vector<16xf32>,
          %parallel_loop3A_263 = arith.index_cast %parallel_loop3A_249 : i32 to index
          %parallel_loop3A_264 = arith.constant 16 : index
          %parallel_loop3A_265 = tpu.vector_load %arg11[%parallel_loop3A_263, %parallel_loop3A_264] {strides = array<i32>} : memref<32x256xf32, #tpu.memory_space<vmem>>, vector<16xf32>,
          %parallel_loop3A_266 = arith.index_cast %parallel_loop3A_256 : i32 to index
          %parallel_loop3A_267 = arith.constant 16 : index
          %parallel_loop3A_268 = tpu.vector_load %arg15[%parallel_loop3A_266, %parallel_loop3A_267] {strides = array<i32>} : memref<320x256xf32, #tpu.memory_space<vmem>>, vector<16xf32>,
          tpu.vector_store %arg15[%parallel_loop3A_266, %parallel_loop3A_267], %parallel_loop3A_265 {add = true, strides = array<i32>} : memref<320x256xf32, #tpu.memory_space<vmem>>, vector<16xf32>,
          %parallel_loop3A_269 = arith.index_cast %parallel_loop3A_249 : i32 to index
          %parallel_loop3A_270 = arith.constant 32 : index
          %parallel_loop3A_271 = tpu.vector_load %arg11[%parallel_loop3A_269, %parallel_loop3A_270] {strides = array<i32>} : memref<32x256xf32, #tpu.memory_space<vmem>>, vector<16xf32>,
          %parallel_loop3A_272 = arith.index_cast %parallel_loop3A_256 : i32 to index
          %parallel_loop3A_273 = arith.constant 32 : index
          %parallel_loop3A_274 = tpu.vector_load %arg15[%parallel_loop3A_272, %parallel_loop3A_273] {strides = array<i32>} : memref<320x256xf32, #tpu.memory_space<vmem>>, vector<16xf32>,
          tpu.vector_store %arg15[%parallel_loop3A_272, %parallel_loop3A_273], %parallel_loop3A_271 {add = true, strides = array<i32>} : memref<320x256xf32, #tpu.memory_space<vmem>>, vector<16xf32>,
          %parallel_loop3A_275 = arith.index_cast %parallel_loop3A_249 : i32 to index
          %parallel_loop3A_276 = arith.constant 48 : index
          %parallel_loop3A_277 = tpu.vector_load %arg11[%parallel_loop3A_275, %parallel_loop3A_276] {strides = array<i32>} : memref<32x256xf32, #tpu.memory_space<vmem>>, vector<16xf32>,
          %parallel_loop3A_278 = arith.index_cast %parallel_loop3A_256 : i32 to index
          %parallel_loop3A_279 = arith.constant 48 : index
          %parallel_loop3A_280 = tpu.vector_load %arg15[%parallel_loop3A_278, %parallel_loop3A_279] {strides = array<i32>} : memref<320x256xf32, #tpu.memory_space<vmem>>, vector<16xf32>,
          tpu.vector_store %arg15[%parallel_loop3A_278, %parallel_loop3A_279], %parallel_loop3A_277 {add = true, strides = array<i32>} : memref<320x256xf32, #tpu.memory_space<vmem>>, vector<16xf32>,
          %parallel_loop3A_281 = arith.index_cast %parallel_loop3A_249 : i32 to index
          %parallel_loop3A_282 = arith.constant 64 : index
          %parallel_loop3A_283 = tpu.vector_load %arg11[%parallel_loop3A_281, %parallel_loop3A_282] {strides = array<i32>} : memref<32x256xf32, #tpu.memory_space<vmem>>, vector<16xf32>,
          %parallel_loop3A_284 = arith.index_cast %parallel_loop3A_256 : i32 to index
          %parallel_loop3A_285 = arith.constant 64 : index
          %parallel_loop3A_286 = tpu.vector_load %arg15[%parallel_loop3A_284, %parallel_loop3A_285] {strides = array<i32>} : memref<320x256xf32, #tpu.memory_space<vmem>>, vector<16xf32>,
          tpu.vector_store %arg15[%parallel_loop3A_284, %parallel_loop3A_285], %parallel_loop3A_283 {add = true, strides = array<i32>} : memref<320x256xf32, #tpu.memory_space<vmem>>, vector<16xf32>,
          %parallel_loop3A_287 = arith.index_cast %parallel_loop3A_249 : i32 to index
          %parallel_loop3A_288 = arith.constant 80 : index
          %parallel_loop3A_289 = tpu.vector_load %arg11[%parallel_loop3A_287, %parallel_loop3A_288] {strides = array<i32>} : memref<32x256xf32, #tpu.memory_space<vmem>>, vector<16xf32>,
          %parallel_loop3A_290 = arith.index_cast %parallel_loop3A_256 : i32 to index
          %parallel_loop3A_291 = arith.constant 80 : index
          %parallel_loop3A_292 = tpu.vector_load %arg15[%parallel_loop3A_290, %parallel_loop3A_291] {strides = array<i32>} : memref<320x256xf32, #tpu.memory_space<vmem>>, vector<16xf32>,
          tpu.vector_store %arg15[%parallel_loop3A_290, %parallel_loop3A_291], %parallel_loop3A_289 {add = true, strides = array<i32>} : memref<320x256xf32, #tpu.memory_space<vmem>>, vector<16xf32>,
          %parallel_loop3A_293 = arith.index_cast %parallel_loop3A_249 : i32 to index
          %parallel_loop3A_294 = arith.constant 96 : index
          %parallel_loop3A_295 = tpu.vector_load %arg11[%parallel_loop3A_293, %parallel_loop3A_294] {strides = array<i32>} : memref<32x256xf32, #tpu.memory_space<vmem>>, vector<16xf32>,
          %parallel_loop3A_296 = arith.index_cast %parallel_loop3A_256 : i32 to index
          %parallel_loop3A_297 = arith.constant 96 : index
          %parallel_loop3A_298 = tpu.vector_load %arg15[%parallel_loop3A_296, %parallel_loop3A_297] {strides = array<i32>} : memref<320x256xf32, #tpu.memory_space<vmem>>, vector<16xf32>,
          tpu.vector_store %arg15[%parallel_loop3A_296, %parallel_loop3A_297], %parallel_loop3A_295 {add = true, strides = array<i32>} : memref<320x256xf32, #tpu.memory_space<vmem>>, vector<16xf32>,
          %parallel_loop3A_299 = arith.index_cast %parallel_loop3A_249 : i32 to index
          %parallel_loop3A_300 = arith.constant 112 : index
          %parallel_loop3A_301 = tpu.vector_load %arg11[%parallel_loop3A_299, %parallel_loop3A_300] {strides = array<i32>} : memref<32x256xf32, #tpu.memory_space<vmem>>, vector<16xf32>,
          %parallel_loop3A_302 = arith.index_cast %parallel_loop3A_256 : i32 to index
          %parallel_loop3A_303 = arith.constant 112 : index
          %parallel_loop3A_304 = tpu.vector_load %arg15[%parallel_loop3A_302, %parallel_loop3A_303] {strides = array<i32>} : memref<320x256xf32, #tpu.memory_space<vmem>>, vector<16xf32>,
          tpu.vector_store %arg15[%parallel_loop3A_302, %parallel_loop3A_303], %parallel_loop3A_301 {add = true, strides = array<i32>} : memref<320x256xf32, #tpu.memory_space<vmem>>, vector<16xf32>,
          %parallel_loop3A_305 = arith.index_cast %parallel_loop3A_249 : i32 to index
          %parallel_loop3A_306 = arith.constant 128 : index
          %parallel_loop3A_307 = tpu.vector_load %arg11[%parallel_loop3A_305, %parallel_loop3A_306] {strides = array<i32>} : memref<32x256xf32, #tpu.memory_space<vmem>>, vector<16xf32>,
          %parallel_loop3A_308 = arith.index_cast %parallel_loop3A_256 : i32 to index
          %parallel_loop3A_309 = arith.constant 128 : index
          %parallel_loop3A_310 = tpu.vector_load %arg15[%parallel_loop3A_308, %parallel_loop3A_309] {strides = array<i32>} : memref<320x256xf32, #tpu.memory_space<vmem>>, vector<16xf32>,
          tpu.vector_store %arg15[%parallel_loop3A_308, %parallel_loop3A_309], %parallel_loop3A_307 {add = true, strides = array<i32>} : memref<320x256xf32, #tpu.memory_space<vmem>>, vector<16xf32>,
          %parallel_loop3A_311 = arith.index_cast %parallel_loop3A_249 : i32 to index
          %parallel_loop3A_312 = arith.constant 144 : index
          %parallel_loop3A_313 = tpu.vector_load %arg11[%parallel_loop3A_311, %parallel_loop3A_312] {strides = array<i32>} : memref<32x256xf32, #tpu.memory_space<vmem>>, vector<16xf32>,
          %parallel_loop3A_314 = arith.index_cast %parallel_loop3A_256 : i32 to index
          %parallel_loop3A_315 = arith.constant 144 : index
          %parallel_loop3A_316 = tpu.vector_load %arg15[%parallel_loop3A_314, %parallel_loop3A_315] {strides = array<i32>} : memref<320x256xf32, #tpu.memory_space<vmem>>, vector<16xf32>,
          tpu.vector_store %arg15[%parallel_loop3A_314, %parallel_loop3A_315], %parallel_loop3A_313 {add = true, strides = array<i32>} : memref<320x256xf32, #tpu.memory_space<vmem>>, vector<16xf32>,
          %parallel_loop3A_317 = arith.index_cast %parallel_loop3A_249 : i32 to index
          %parallel_loop3A_318 = arith.constant 160 : index
          %parallel_loop3A_319 = tpu.vector_load %arg11[%parallel_loop3A_317, %parallel_loop3A_318] {strides = array<i32>} : memref<32x256xf32, #tpu.memory_space<vmem>>, vector<16xf32>,
          %parallel_loop3A_320 = arith.index_cast %parallel_loop3A_256 : i32 to index
          %parallel_loop3A_321 = arith.constant 160 : index
          %parallel_loop3A_322 = tpu.vector_load %arg15[%parallel_loop3A_320, %parallel_loop3A_321] {strides = array<i32>} : memref<320x256xf32, #tpu.memory_space<vmem>>, vector<16xf32>,
          tpu.vector_store %arg15[%parallel_loop3A_320, %parallel_loop3A_321], %parallel_loop3A_319 {add = true, strides = array<i32>} : memref<320x256xf32, #tpu.memory_space<vmem>>, vector<16xf32>,
          %parallel_loop3A_323 = arith.index_cast %parallel_loop3A_249 : i32 to index
          %parallel_loop3A_324 = arith.constant 176 : index
          %parallel_loop3A_325 = tpu.vector_load %arg11[%parallel_loop3A_323, %parallel_loop3A_324] {strides = array<i32>} : memref<32x256xf32, #tpu.memory_space<vmem>>, vector<16xf32>,
          %parallel_loop3A_326 = arith.index_cast %parallel_loop3A_256 : i32 to index
          %parallel_loop3A_327 = arith.constant 176 : index
          %parallel_loop3A_328 = tpu.vector_load %arg15[%parallel_loop3A_326, %parallel_loop3A_327] {strides = array<i32>} : memref<320x256xf32, #tpu.memory_space<vmem>>, vector<16xf32>,
          tpu.vector_store %arg15[%parallel_loop3A_326, %parallel_loop3A_327], %parallel_loop3A_325 {add = true, strides = array<i32>} : memref<320x256xf32, #tpu.memory_space<vmem>>, vector<16xf32>,
          %parallel_loop3A_329 = arith.index_cast %parallel_loop3A_249 : i32 to index
          %parallel_loop3A_330 = arith.constant 192 : index
          %parallel_loop3A_331 = tpu.vector_load %arg11[%parallel_loop3A_329, %parallel_loop3A_330] {strides = array<i32>} : memref<32x256xf32, #tpu.memory_space<vmem>>, vector<16xf32>,
          %parallel_loop3A_332 = arith.index_cast %parallel_loop3A_256 : i32 to index
          %parallel_loop3A_333 = arith.constant 192 : index
          %parallel_loop3A_334 = tpu.vector_load %arg15[%parallel_loop3A_332, %parallel_loop3A_333] {strides = array<i32>} : memref<320x256xf32, #tpu.memory_space<vmem>>, vector<16xf32>,
          tpu.vector_store %arg15[%parallel_loop3A_332, %parallel_loop3A_333], %parallel_loop3A_331 {add = true, strides = array<i32>} : memref<320x256xf32, #tpu.memory_space<vmem>>, vector<16xf32>,
          %parallel_loop3A_335 = arith.index_cast %parallel_loop3A_249 : i32 to index
          %parallel_loop3A_336 = arith.constant 208 : index
          %parallel_loop3A_337 = tpu.vector_load %arg11[%parallel_loop3A_335, %parallel_loop3A_336] {strides = array<i32>} : memref<32x256xf32, #tpu.memory_space<vmem>>, vector<16xf32>,
          %parallel_loop3A_338 = arith.index_cast %parallel_loop3A_256 : i32 to index
          %parallel_loop3A_339 = arith.constant 208 : index
          %parallel_loop3A_340 = tpu.vector_load %arg15[%parallel_loop3A_338, %parallel_loop3A_339] {strides = array<i32>} : memref<320x256xf32, #tpu.memory_space<vmem>>, vector<16xf32>,
          tpu.vector_store %arg15[%parallel_loop3A_338, %parallel_loop3A_339], %parallel_loop3A_337 {add = true, strides = array<i32>} : memref<320x256xf32, #tpu.memory_space<vmem>>, vector<16xf32>,
          %parallel_loop3A_341 = arith.index_cast %parallel_loop3A_249 : i32 to index
          %parallel_loop3A_342 = arith.constant 224 : index
          %parallel_loop3A_343 = tpu.vector_load %arg11[%parallel_loop3A_341, %parallel_loop3A_342] {strides = array<i32>} : memref<32x256xf32, #tpu.memory_space<vmem>>, vector<16xf32>,
          %parallel_loop3A_344 = arith.index_cast %parallel_loop3A_256 : i32 to index
          %parallel_loop3A_345 = arith.constant 224 : index
          %parallel_loop3A_346 = tpu.vector_load %arg15[%parallel_loop3A_344, %parallel_loop3A_345] {strides = array<i32>} : memref<320x256xf32, #tpu.memory_space<vmem>>, vector<16xf32>,
          tpu.vector_store %arg15[%parallel_loop3A_344, %parallel_loop3A_345], %parallel_loop3A_343 {add = true, strides = array<i32>} : memref<320x256xf32, #tpu.memory_space<vmem>>, vector<16xf32>,
          %parallel_loop3A_347 = arith.index_cast %parallel_loop3A_249 : i32 to index
          %parallel_loop3A_348 = arith.constant 240 : index
          %parallel_loop3A_349 = tpu.vector_load %arg11[%parallel_loop3A_347, %parallel_loop3A_348] {strides = array<i32>} : memref<32x256xf32, #tpu.memory_space<vmem>>, vector<16xf32>,
          %parallel_loop3A_350 = arith.index_cast %parallel_loop3A_256 : i32 to index
          %parallel_loop3A_351 = arith.constant 240 : index
          %parallel_loop3A_352 = tpu.vector_load %arg15[%parallel_loop3A_350, %parallel_loop3A_351] {strides = array<i32>} : memref<320x256xf32, #tpu.memory_space<vmem>>, vector<16xf32>,
          tpu.vector_store %arg15[%parallel_loop3A_350, %parallel_loop3A_351], %parallel_loop3A_349 {add = true, strides = array<i32>} : memref<320x256xf32, #tpu.memory_space<vmem>>, vector<16xf32>,
          %parallel_loop3A_353 = vector.broadcast %parallel_loop3A_256 : i32 to vector<16xi32>
          tpu.vector_store_idx %arg16[%parallel_loop3A_353], %broadcast_in_dim3A_5 masked %eq3A_7 {add = true} : memref<336xf32, #tpu.memory_space<vmem>>[vector<16xi32>], vector<16xf32>, vector<16xi1>
        } {sc.loop_unroll_factor = 1 : i64, sc.parallel_access}
        %add3A_239 = arith.constant 1 : i32
        %add3A_240 = arith.addi %add3A_224, %add3A_239 : i32
        %lt3A_241 = arith.cmpi slt, %add3A_240, %select_n3A : i32
        %convert_element_type3A_242 = arith.extui %lt3A_241 : i1 to i32
        %cond3A_243 = arith.constant 0 : i32
        %cond3A_244 = arith.cmpi ne, %convert_element_type3A_242, %cond3A_243 : i32
        scf.if %cond3A_244 {
          %add3A_249 = arith.constant 1 : i32
          %add3A_250 = arith.addi %add3A_224, %add3A_249 : i32
          %mul3A_251 = arith.constant 32 : i32
          %mul3A_252 = arith.muli %add3A_250, %mul3A_251 : i32
          %dma_start3A = tpu.memref_slice %arg9[%mul3A_252] : memref<6432xi32, #tpu.memory_space<vmem>> -> memref<32xi32, #tpu.memory_space<vmem>>
          %dma_start3A_253 = arith.constant 0 : i32
          %dma_start3A_254 = arith.constant 0 : i32
          %dma_start3A_255 = tpu.memref_slice %arg2[%dma_start3A_253, %dma_start3A_254] : memref<10000x256xf32, #tpu.memory_space<hbm>> -> memref<10000x256xf32, #tpu.memory_space<hbm>>
          tpu.enqueue_indirect_dma source(%dma_start3A_255 : memref<10000x256xf32, #tpu.memory_space<hbm>>) target(%arg11 : memref<32x256xf32, #tpu.memory_space<vmem>>) offsets(%dma_start3A : memref<32xi32, #tpu.memory_space<vmem>>) semaphore(%arg13 : memref<!tpu.dma_semaphore, #tpu.memory_space<semaphore_mem>>)
        } else {
        }
        %lt3A_245 = arith.cmpi slt, %add3A_224, %select_n3A : i32
        %convert_element_type3A_246 = arith.extui %lt3A_245 : i1 to i32
        %cond3A_247 = arith.constant 0 : i32
        %cond3A_248 = arith.cmpi ne, %convert_element_type3A_246, %cond3A_247 : i32
        scf.if %cond3A_248 {
          %mul3A_249 = arith.constant 32 : i32
          %mul3A_250 = arith.muli %add3A_224, %mul3A_249 : i32
          %dma_wait3A_251 = tpu.memref_slice %arg9[%mul3A_250] : memref<6432xi32, #tpu.memory_space<vmem>> -> memref<32xi32, #tpu.memory_space<vmem>>
          %dma_wait3A_252 = arith.constant 0 : i32
          %dma_wait3A_253 = arith.constant 0 : i32
          %dma_wait3A_254 = tpu.memref_slice %arg2[%dma_wait3A_252, %dma_wait3A_253] : memref<10000x256xf32, #tpu.memory_space<hbm>> -> memref<10000x256xf32, #tpu.memory_space<hbm>>
          tpu.wait_indirect_dma semaphore(%arg14 : memref<!tpu.dma_semaphore, #tpu.memory_space<semaphore_mem>>) src(%dma_wait3A_254 : memref<10000x256xf32, #tpu.memory_space<hbm>>) dst(%arg12 : memref<32x256xf32, #tpu.memory_space<vmem>>)
          %mul3A_255 = arith.constant 32 : i32
          %mul3A_256 = arith.muli %add3A_224, %mul3A_255 : i32
          %sub3A_257 = arith.subi %parallel_loop3A_151, %mul3A_256 : i32
          %min3A_258 = arith.constant 32 : i32
          %min3A_259 = arith.minsi %min3A_258, %sub3A_257 : i32
          %parallel_loop3A_260 = arith.constant 0 : i32
          %parallel_loop3A_261 = arith.constant 1 : i32
          scf.for %parallel_loop3A_262 = %parallel_loop3A_260 to %min3A_259 step %parallel_loop3A_261  : i32 {
            %parallel_loop3A_263 = arith.constant 32 : i32
            %parallel_loop3A_264 = arith.muli %add3A_224, %parallel_loop3A_263 : i32
            %parallel_loop3A_265 = arith.addi %parallel_loop3A_264, %parallel_loop3A_262 : i32
            %parallel_loop3A_266 = arith.index_cast %parallel_loop3A_265 : i32 to index
            %parallel_loop3A_267 = tpu.vector_load %arg10[%parallel_loop3A_266] {strides = array<i32>} : memref<6432xi32, #tpu.memory_space<vmem>>, vector<16xi32>,
            %parallel_loop3A_268 = vector.extract_strided_slice %parallel_loop3A_267 {offsets = [0], sizes = [1], strides = [1]} : vector<16xi32> to vector<1xi32>
            %parallel_loop3A_269 = vector.extract %parallel_loop3A_268[0] : i32 from vector<1xi32>
            %parallel_loop3A_270 = arith.index_cast %parallel_loop3A_262 : i32 to index
            %parallel_loop3A_271 = arith.constant 0 : index
            %parallel_loop3A_272 = tpu.vector_load %arg12[%parallel_loop3A_270, %parallel_loop3A_271] {strides = array<i32>} : memref<32x256xf32, #tpu.memory_space<vmem>>, vector<16xf32>,
            %parallel_loop3A_273 = arith.index_cast %parallel_loop3A_269 : i32 to index
            %parallel_loop3A_274 = arith.constant 0 : index
            %parallel_loop3A_275 = tpu.vector_load %arg15[%parallel_loop3A_273, %parallel_loop3A_274] {strides = array<i32>} : memref<320x256xf32, #tpu.memory_space<vmem>>, vector<16xf32>,
            tpu.vector_store %arg15[%parallel_loop3A_273, %parallel_loop3A_274], %parallel_loop3A_272 {add = true, strides = array<i32>} : memref<320x256xf32, #tpu.memory_space<vmem>>, vector<16xf32>,
            %parallel_loop3A_276 = arith.index_cast %parallel_loop3A_262 : i32 to index
            %parallel_loop3A_277 = arith.constant 16 : index
            %parallel_loop3A_278 = tpu.vector_load %arg12[%parallel_loop3A_276, %parallel_loop3A_277] {strides = array<i32>} : memref<32x256xf32, #tpu.memory_space<vmem>>, vector<16xf32>,
            %parallel_loop3A_279 = arith.index_cast %parallel_loop3A_269 : i32 to index
            %parallel_loop3A_280 = arith.constant 16 : index
            %parallel_loop3A_281 = tpu.vector_load %arg15[%parallel_loop3A_279, %parallel_loop3A_280] {strides = array<i32>} : memref<320x256xf32, #tpu.memory_space<vmem>>, vector<16xf32>,
            tpu.vector_store %arg15[%parallel_loop3A_279, %parallel_loop3A_280], %parallel_loop3A_278 {add = true, strides = array<i32>} : memref<320x256xf32, #tpu.memory_space<vmem>>, vector<16xf32>,
            %parallel_loop3A_282 = arith.index_cast %parallel_loop3A_262 : i32 to index
            %parallel_loop3A_283 = arith.constant 32 : index
            %parallel_loop3A_284 = tpu.vector_load %arg12[%parallel_loop3A_282, %parallel_loop3A_283] {strides = array<i32>} : memref<32x256xf32, #tpu.memory_space<vmem>>, vector<16xf32>,
            %parallel_loop3A_285 = arith.index_cast %parallel_loop3A_269 : i32 to index
            %parallel_loop3A_286 = arith.constant 32 : index
            %parallel_loop3A_287 = tpu.vector_load %arg15[%parallel_loop3A_285, %parallel_loop3A_286] {strides = array<i32>} : memref<320x256xf32, #tpu.memory_space<vmem>>, vector<16xf32>,
            tpu.vector_store %arg15[%parallel_loop3A_285, %parallel_loop3A_286], %parallel_loop3A_284 {add = true, strides = array<i32>} : memref<320x256xf32, #tpu.memory_space<vmem>>, vector<16xf32>,
            %parallel_loop3A_288 = arith.index_cast %parallel_loop3A_262 : i32 to index
            %parallel_loop3A_289 = arith.constant 48 : index
            %parallel_loop3A_290 = tpu.vector_load %arg12[%parallel_loop3A_288, %parallel_loop3A_289] {strides = array<i32>} : memref<32x256xf32, #tpu.memory_space<vmem>>, vector<16xf32>,
            %parallel_loop3A_291 = arith.index_cast %parallel_loop3A_269 : i32 to index
            %parallel_loop3A_292 = arith.constant 48 : index
            %parallel_loop3A_293 = tpu.vector_load %arg15[%parallel_loop3A_291, %parallel_loop3A_292] {strides = array<i32>} : memref<320x256xf32, #tpu.memory_space<vmem>>, vector<16xf32>,
            tpu.vector_store %arg15[%parallel_loop3A_291, %parallel_loop3A_292], %parallel_loop3A_290 {add = true, strides = array<i32>} : memref<320x256xf32, #tpu.memory_space<vmem>>, vector<16xf32>,
            %parallel_loop3A_294 = arith.index_cast %parallel_loop3A_262 : i32 to index
            %parallel_loop3A_295 = arith.constant 64 : index
            %parallel_loop3A_296 = tpu.vector_load %arg12[%parallel_loop3A_294, %parallel_loop3A_295] {strides = array<i32>} : memref<32x256xf32, #tpu.memory_space<vmem>>, vector<16xf32>,
            %parallel_loop3A_297 = arith.index_cast %parallel_loop3A_269 : i32 to index
            %parallel_loop3A_298 = arith.constant 64 : index
            %parallel_loop3A_299 = tpu.vector_load %arg15[%parallel_loop3A_297, %parallel_loop3A_298] {strides = array<i32>} : memref<320x256xf32, #tpu.memory_space<vmem>>, vector<16xf32>,
            tpu.vector_store %arg15[%parallel_loop3A_297, %parallel_loop3A_298], %parallel_loop3A_296 {add = true, strides = array<i32>} : memref<320x256xf32, #tpu.memory_space<vmem>>, vector<16xf32>,
            %parallel_loop3A_300 = arith.index_cast %parallel_loop3A_262 : i32 to index
            %parallel_loop3A_301 = arith.constant 80 : index
            %parallel_loop3A_302 = tpu.vector_load %arg12[%parallel_loop3A_300, %parallel_loop3A_301] {strides = array<i32>} : memref<32x256xf32, #tpu.memory_space<vmem>>, vector<16xf32>,
            %parallel_loop3A_303 = arith.index_cast %parallel_loop3A_269 : i32 to index
            %parallel_loop3A_304 = arith.constant 80 : index
            %parallel_loop3A_305 = tpu.vector_load %arg15[%parallel_loop3A_303, %parallel_loop3A_304] {strides = array<i32>} : memref<320x256xf32, #tpu.memory_space<vmem>>, vector<16xf32>,
            tpu.vector_store %arg15[%parallel_loop3A_303, %parallel_loop3A_304], %parallel_loop3A_302 {add = true, strides = array<i32>} : memref<320x256xf32, #tpu.memory_space<vmem>>, vector<16xf32>,
            %parallel_loop3A_306 = arith.index_cast %parallel_loop3A_262 : i32 to index
            %parallel_loop3A_307 = arith.constant 96 : index
            %parallel_loop3A_308 = tpu.vector_load %arg12[%parallel_loop3A_306, %parallel_loop3A_307] {strides = array<i32>} : memref<32x256xf32, #tpu.memory_space<vmem>>, vector<16xf32>,
            %parallel_loop3A_309 = arith.index_cast %parallel_loop3A_269 : i32 to index
            %parallel_loop3A_310 = arith.constant 96 : index
            %parallel_loop3A_311 = tpu.vector_load %arg15[%parallel_loop3A_309, %parallel_loop3A_310] {strides = array<i32>} : memref<320x256xf32, #tpu.memory_space<vmem>>, vector<16xf32>,
            tpu.vector_store %arg15[%parallel_loop3A_309, %parallel_loop3A_310], %parallel_loop3A_308 {add = true, strides = array<i32>} : memref<320x256xf32, #tpu.memory_space<vmem>>, vector<16xf32>,
            %parallel_loop3A_312 = arith.index_cast %parallel_loop3A_262 : i32 to index
            %parallel_loop3A_313 = arith.constant 112 : index
            %parallel_loop3A_314 = tpu.vector_load %arg12[%parallel_loop3A_312, %parallel_loop3A_313] {strides = array<i32>} : memref<32x256xf32, #tpu.memory_space<vmem>>, vector<16xf32>,
            %parallel_loop3A_315 = arith.index_cast %parallel_loop3A_269 : i32 to index
            %parallel_loop3A_316 = arith.constant 112 : index
            %parallel_loop3A_317 = tpu.vector_load %arg15[%parallel_loop3A_315, %parallel_loop3A_316] {strides = array<i32>} : memref<320x256xf32, #tpu.memory_space<vmem>>, vector<16xf32>,
            tpu.vector_store %arg15[%parallel_loop3A_315, %parallel_loop3A_316], %parallel_loop3A_314 {add = true, strides = array<i32>} : memref<320x256xf32, #tpu.memory_space<vmem>>, vector<16xf32>,
            %parallel_loop3A_318 = arith.index_cast %parallel_loop3A_262 : i32 to index
            %parallel_loop3A_319 = arith.constant 128 : index
            %parallel_loop3A_320 = tpu.vector_load %arg12[%parallel_loop3A_318, %parallel_loop3A_319] {strides = array<i32>} : memref<32x256xf32, #tpu.memory_space<vmem>>, vector<16xf32>,
            %parallel_loop3A_321 = arith.index_cast %parallel_loop3A_269 : i32 to index
            %parallel_loop3A_322 = arith.constant 128 : index
            %parallel_loop3A_323 = tpu.vector_load %arg15[%parallel_loop3A_321, %parallel_loop3A_322] {strides = array<i32>} : memref<320x256xf32, #tpu.memory_space<vmem>>, vector<16xf32>,
            tpu.vector_store %arg15[%parallel_loop3A_321, %parallel_loop3A_322], %parallel_loop3A_320 {add = true, strides = array<i32>} : memref<320x256xf32, #tpu.memory_space<vmem>>, vector<16xf32>,
            %parallel_loop3A_324 = arith.index_cast %parallel_loop3A_262 : i32 to index
            %parallel_loop3A_325 = arith.constant 144 : index
            %parallel_loop3A_326 = tpu.vector_load %arg12[%parallel_loop3A_324, %parallel_loop3A_325] {strides = array<i32>} : memref<32x256xf32, #tpu.memory_space<vmem>>, vector<16xf32>,
            %parallel_loop3A_327 = arith.index_cast %parallel_loop3A_269 : i32 to index
            %parallel_loop3A_328 = arith.constant 144 : index
            %parallel_loop3A_329 = tpu.vector_load %arg15[%parallel_loop3A_327, %parallel_loop3A_328] {strides = array<i32>} : memref<320x256xf32, #tpu.memory_space<vmem>>, vector<16xf32>,
            tpu.vector_store %arg15[%parallel_loop3A_327, %parallel_loop3A_328], %parallel_loop3A_326 {add = true, strides = array<i32>} : memref<320x256xf32, #tpu.memory_space<vmem>>, vector<16xf32>,
            %parallel_loop3A_330 = arith.index_cast %parallel_loop3A_262 : i32 to index
            %parallel_loop3A_331 = arith.constant 160 : index
            %parallel_loop3A_332 = tpu.vector_load %arg12[%parallel_loop3A_330, %parallel_loop3A_331] {strides = array<i32>} : memref<32x256xf32, #tpu.memory_space<vmem>>, vector<16xf32>,
            %parallel_loop3A_333 = arith.index_cast %parallel_loop3A_269 : i32 to index
            %parallel_loop3A_334 = arith.constant 160 : index
            %parallel_loop3A_335 = tpu.vector_load %arg15[%parallel_loop3A_333, %parallel_loop3A_334] {strides = array<i32>} : memref<320x256xf32, #tpu.memory_space<vmem>>, vector<16xf32>,
            tpu.vector_store %arg15[%parallel_loop3A_333, %parallel_loop3A_334], %parallel_loop3A_332 {add = true, strides = array<i32>} : memref<320x256xf32, #tpu.memory_space<vmem>>, vector<16xf32>,
            %parallel_loop3A_336 = arith.index_cast %parallel_loop3A_262 : i32 to index
            %parallel_loop3A_337 = arith.constant 176 : index
            %parallel_loop3A_338 = tpu.vector_load %arg12[%parallel_loop3A_336, %parallel_loop3A_337] {strides = array<i32>} : memref<32x256xf32, #tpu.memory_space<vmem>>, vector<16xf32>,
            %parallel_loop3A_339 = arith.index_cast %parallel_loop3A_269 : i32 to index
            %parallel_loop3A_340 = arith.constant 176 : index
            %parallel_loop3A_341 = tpu.vector_load %arg15[%parallel_loop3A_339, %parallel_loop3A_340] {strides = array<i32>} : memref<320x256xf32, #tpu.memory_space<vmem>>, vector<16xf32>,
            tpu.vector_store %arg15[%parallel_loop3A_339, %parallel_loop3A_340], %parallel_loop3A_338 {add = true, strides = array<i32>} : memref<320x256xf32, #tpu.memory_space<vmem>>, vector<16xf32>,
            %parallel_loop3A_342 = arith.index_cast %parallel_loop3A_262 : i32 to index
            %parallel_loop3A_343 = arith.constant 192 : index
            %parallel_loop3A_344 = tpu.vector_load %arg12[%parallel_loop3A_342, %parallel_loop3A_343] {strides = array<i32>} : memref<32x256xf32, #tpu.memory_space<vmem>>, vector<16xf32>,
            %parallel_loop3A_345 = arith.index_cast %parallel_loop3A_269 : i32 to index
            %parallel_loop3A_346 = arith.constant 192 : index
            %parallel_loop3A_347 = tpu.vector_load %arg15[%parallel_loop3A_345, %parallel_loop3A_346] {strides = array<i32>} : memref<320x256xf32, #tpu.memory_space<vmem>>, vector<16xf32>,
            tpu.vector_store %arg15[%parallel_loop3A_345, %parallel_loop3A_346], %parallel_loop3A_344 {add = true, strides = array<i32>} : memref<320x256xf32, #tpu.memory_space<vmem>>, vector<16xf32>,
            %parallel_loop3A_348 = arith.index_cast %parallel_loop3A_262 : i32 to index
            %parallel_loop3A_349 = arith.constant 208 : index
            %parallel_loop3A_350 = tpu.vector_load %arg12[%parallel_loop3A_348, %parallel_loop3A_349] {strides = array<i32>} : memref<32x256xf32, #tpu.memory_space<vmem>>, vector<16xf32>,
            %parallel_loop3A_351 = arith.index_cast %parallel_loop3A_269 : i32 to index
            %parallel_loop3A_352 = arith.constant 208 : index
            %parallel_loop3A_353 = tpu.vector_load %arg15[%parallel_loop3A_351, %parallel_loop3A_352] {strides = array<i32>} : memref<320x256xf32, #tpu.memory_space<vmem>>, vector<16xf32>,
            tpu.vector_store %arg15[%parallel_loop3A_351, %parallel_loop3A_352], %parallel_loop3A_350 {add = true, strides = array<i32>} : memref<320x256xf32, #tpu.memory_space<vmem>>, vector<16xf32>,
            %parallel_loop3A_354 = arith.index_cast %parallel_loop3A_262 : i32 to index
            %parallel_loop3A_355 = arith.constant 224 : index
            %parallel_loop3A_356 = tpu.vector_load %arg12[%parallel_loop3A_354, %parallel_loop3A_355] {strides = array<i32>} : memref<32x256xf32, #tpu.memory_space<vmem>>, vector<16xf32>,
            %parallel_loop3A_357 = arith.index_cast %parallel_loop3A_269 : i32 to index
            %parallel_loop3A_358 = arith.constant 224 : index
            %parallel_loop3A_359 = tpu.vector_load %arg15[%parallel_loop3A_357, %parallel_loop3A_358] {strides = array<i32>} : memref<320x256xf32, #tpu.memory_space<vmem>>, vector<16xf32>,
            tpu.vector_store %arg15[%parallel_loop3A_357, %parallel_loop3A_358], %parallel_loop3A_356 {add = true, strides = array<i32>} : memref<320x256xf32, #tpu.memory_space<vmem>>, vector<16xf32>,
            %parallel_loop3A_360 = arith.index_cast %parallel_loop3A_262 : i32 to index
            %parallel_loop3A_361 = arith.constant 240 : index
            %parallel_loop3A_362 = tpu.vector_load %arg12[%parallel_loop3A_360, %parallel_loop3A_361] {strides = array<i32>} : memref<32x256xf32, #tpu.memory_space<vmem>>, vector<16xf32>,
            %parallel_loop3A_363 = arith.index_cast %parallel_loop3A_269 : i32 to index
            %parallel_loop3A_364 = arith.constant 240 : index
            %parallel_loop3A_365 = tpu.vector_load %arg15[%parallel_loop3A_363, %parallel_loop3A_364] {strides = array<i32>} : memref<320x256xf32, #tpu.memory_space<vmem>>, vector<16xf32>,
            tpu.vector_store %arg15[%parallel_loop3A_363, %parallel_loop3A_364], %parallel_loop3A_362 {add = true, strides = array<i32>} : memref<320x256xf32, #tpu.memory_space<vmem>>, vector<16xf32>,
            %parallel_loop3A_366 = vector.broadcast %parallel_loop3A_269 : i32 to vector<16xi32>
            tpu.vector_store_idx %arg16[%parallel_loop3A_366], %broadcast_in_dim3A_5 masked %eq3A_7 {add = true} : memref<336xf32, #tpu.memory_space<vmem>>[vector<16xi32>], vector<16xf32>, vector<16xi1>
          } {sc.loop_unroll_factor = 1 : i64, sc.parallel_access}
        } else {
        }
      }
    }
    %scan3A_19 = arith.constant 25 : i32
    %get3A = arith.constant 0 : index
    %get3A_20 = tpu.vector_load %arg16[%get3A] {strides = array<i32>} : memref<336xf32, #tpu.memory_space<vmem>>, vector<16xf32>,
    %swap3A = arith.constant 0 : i32
    %swap3A_21 = arith.index_cast %swap3A : i32 to index
    %swap3A_22 = arith.constant 0 : index
    %swap3A_23 = tpu.vector_load %arg17[%swap3A_21, %swap3A_22] {strides = array<i32>} : memref<8x256xf32, #tpu.memory_space<vmem>>, vector<16xf32>,
    tpu.vector_store %arg17[%swap3A_21, %swap3A_22], %get3A_20 {strides = array<i32>} : memref<8x256xf32, #tpu.memory_space<vmem>>, vector<16xf32>,
    %get3A_24 = arith.constant 16 : index
    %get3A_25 = tpu.vector_load %arg16[%get3A_24] {strides = array<i32>} : memref<336xf32, #tpu.memory_space<vmem>>, vector<16xf32>,
    %swap3A_26 = arith.constant 0 : i32
    %swap3A_27 = arith.index_cast %swap3A_26 : i32 to index
    %swap3A_28 = arith.constant 16 : index
    %swap3A_29 = tpu.vector_load %arg17[%swap3A_27, %swap3A_28] {strides = array<i32>} : memref<8x256xf32, #tpu.memory_space<vmem>>, vector<16xf32>,
    tpu.vector_store %arg17[%swap3A_27, %swap3A_28], %get3A_25 {strides = array<i32>} : memref<8x256xf32, #tpu.memory_space<vmem>>, vector<16xf32>,
    %get3A_30 = arith.constant 32 : index
    %get3A_31 = tpu.vector_load %arg16[%get3A_30] {strides = array<i32>} : memref<336xf32, #tpu.memory_space<vmem>>, vector<16xf32>,
    %swap3A_32 = arith.constant 0 : i32
    %swap3A_33 = arith.index_cast %swap3A_32 : i32 to index
    %swap3A_34 = arith.constant 32 : index
    %swap3A_35 = tpu.vector_load %arg17[%swap3A_33, %swap3A_34] {strides = array<i32>} : memref<8x256xf32, #tpu.memory_space<vmem>>, vector<16xf32>,
    tpu.vector_store %arg17[%swap3A_33, %swap3A_34], %get3A_31 {strides = array<i32>} : memref<8x256xf32, #tpu.memory_space<vmem>>, vector<16xf32>,
    %get3A_36 = arith.constant 48 : index
    %get3A_37 = tpu.vector_load %arg16[%get3A_36] {strides = array<i32>} : memref<336xf32, #tpu.memory_space<vmem>>, vector<16xf32>,
    %swap3A_38 = arith.constant 0 : i32
    %swap3A_39 = arith.index_cast %swap3A_38 : i32 to index
    %swap3A_40 = arith.constant 48 : index
    %swap3A_41 = tpu.vector_load %arg17[%swap3A_39, %swap3A_40] {strides = array<i32>} : memref<8x256xf32, #tpu.memory_space<vmem>>, vector<16xf32>,
    tpu.vector_store %arg17[%swap3A_39, %swap3A_40], %get3A_37 {strides = array<i32>} : memref<8x256xf32, #tpu.memory_space<vmem>>, vector<16xf32>,
    %get3A_42 = arith.constant 64 : index
    %get3A_43 = tpu.vector_load %arg16[%get3A_42] {strides = array<i32>} : memref<336xf32, #tpu.memory_space<vmem>>, vector<16xf32>,
    %swap3A_44 = arith.constant 0 : i32
    %swap3A_45 = arith.index_cast %swap3A_44 : i32 to index
    %swap3A_46 = arith.constant 64 : index
    %swap3A_47 = tpu.vector_load %arg17[%swap3A_45, %swap3A_46] {strides = array<i32>} : memref<8x256xf32, #tpu.memory_space<vmem>>, vector<16xf32>,
    tpu.vector_store %arg17[%swap3A_45, %swap3A_46], %get3A_43 {strides = array<i32>} : memref<8x256xf32, #tpu.memory_space<vmem>>, vector<16xf32>,
    %get3A_48 = arith.constant 80 : index
    %get3A_49 = tpu.vector_load %arg16[%get3A_48] {strides = array<i32>} : memref<336xf32, #tpu.memory_space<vmem>>, vector<16xf32>,
    %swap3A_50 = arith.constant 0 : i32
    %swap3A_51 = arith.index_cast %swap3A_50 : i32 to index
    %swap3A_52 = arith.constant 80 : index
    %swap3A_53 = tpu.vector_load %arg17[%swap3A_51, %swap3A_52] {strides = array<i32>} : memref<8x256xf32, #tpu.memory_space<vmem>>, vector<16xf32>,
    tpu.vector_store %arg17[%swap3A_51, %swap3A_52], %get3A_49 {strides = array<i32>} : memref<8x256xf32, #tpu.memory_space<vmem>>, vector<16xf32>,
    %get3A_54 = arith.constant 96 : index
    %get3A_55 = tpu.vector_load %arg16[%get3A_54] {strides = array<i32>} : memref<336xf32, #tpu.memory_space<vmem>>, vector<16xf32>,
    %swap3A_56 = arith.constant 0 : i32
    %swap3A_57 = arith.index_cast %swap3A_56 : i32 to index
    %swap3A_58 = arith.constant 96 : index
    %swap3A_59 = tpu.vector_load %arg17[%swap3A_57, %swap3A_58] {strides = array<i32>} : memref<8x256xf32, #tpu.memory_space<vmem>>, vector<16xf32>,
    tpu.vector_store %arg17[%swap3A_57, %swap3A_58], %get3A_55 {strides = array<i32>} : memref<8x256xf32, #tpu.memory_space<vmem>>, vector<16xf32>,
    %get3A_60 = arith.constant 112 : index
    %get3A_61 = tpu.vector_load %arg16[%get3A_60] {strides = array<i32>} : memref<336xf32, #tpu.memory_space<vmem>>, vector<16xf32>,
    %swap3A_62 = arith.constant 0 : i32
    %swap3A_63 = arith.index_cast %swap3A_62 : i32 to index
    %swap3A_64 = arith.constant 112 : index
    %swap3A_65 = tpu.vector_load %arg17[%swap3A_63, %swap3A_64] {strides = array<i32>} : memref<8x256xf32, #tpu.memory_space<vmem>>, vector<16xf32>,
    tpu.vector_store %arg17[%swap3A_63, %swap3A_64], %get3A_61 {strides = array<i32>} : memref<8x256xf32, #tpu.memory_space<vmem>>, vector<16xf32>,
    %get3A_66 = arith.constant 128 : index
    %get3A_67 = tpu.vector_load %arg16[%get3A_66] {strides = array<i32>} : memref<336xf32, #tpu.memory_space<vmem>>, vector<16xf32>,
    %swap3A_68 = arith.constant 0 : i32
    %swap3A_69 = arith.index_cast %swap3A_68 : i32 to index
    %swap3A_70 = arith.constant 128 : index
    %swap3A_71 = tpu.vector_load %arg17[%swap3A_69, %swap3A_70] {strides = array<i32>} : memref<8x256xf32, #tpu.memory_space<vmem>>, vector<16xf32>,
    tpu.vector_store %arg17[%swap3A_69, %swap3A_70], %get3A_67 {strides = array<i32>} : memref<8x256xf32, #tpu.memory_space<vmem>>, vector<16xf32>,
    %get3A_72 = arith.constant 144 : index
    %get3A_73 = tpu.vector_load %arg16[%get3A_72] {strides = array<i32>} : memref<336xf32, #tpu.memory_space<vmem>>, vector<16xf32>,
    %swap3A_74 = arith.constant 0 : i32
    %swap3A_75 = arith.index_cast %swap3A_74 : i32 to index
    %swap3A_76 = arith.constant 144 : index
    %swap3A_77 = tpu.vector_load %arg17[%swap3A_75, %swap3A_76] {strides = array<i32>} : memref<8x256xf32, #tpu.memory_space<vmem>>, vector<16xf32>,
    tpu.vector_store %arg17[%swap3A_75, %swap3A_76], %get3A_73 {strides = array<i32>} : memref<8x256xf32, #tpu.memory_space<vmem>>, vector<16xf32>,
    %get3A_78 = arith.constant 160 : index
    %get3A_79 = tpu.vector_load %arg16[%get3A_78] {strides = array<i32>} : memref<336xf32, #tpu.memory_space<vmem>>, vector<16xf32>,
    %swap3A_80 = arith.constant 0 : i32
    %swap3A_81 = arith.index_cast %swap3A_80 : i32 to index
    %swap3A_82 = arith.constant 160 : index
    %swap3A_83 = tpu.vector_load %arg17[%swap3A_81, %swap3A_82] {strides = array<i32>} : memref<8x256xf32, #tpu.memory_space<vmem>>, vector<16xf32>,
    tpu.vector_store %arg17[%swap3A_81, %swap3A_82], %get3A_79 {strides = array<i32>} : memref<8x256xf32, #tpu.memory_space<vmem>>, vector<16xf32>,
    %get3A_84 = arith.constant 176 : index
    %get3A_85 = tpu.vector_load %arg16[%get3A_84] {strides = array<i32>} : memref<336xf32, #tpu.memory_space<vmem>>, vector<16xf32>,
    %swap3A_86 = arith.constant 0 : i32
    %swap3A_87 = arith.index_cast %swap3A_86 : i32 to index
    %swap3A_88 = arith.constant 176 : index
    %swap3A_89 = tpu.vector_load %arg17[%swap3A_87, %swap3A_88] {strides = array<i32>} : memref<8x256xf32, #tpu.memory_space<vmem>>, vector<16xf32>,
    tpu.vector_store %arg17[%swap3A_87, %swap3A_88], %get3A_85 {strides = array<i32>} : memref<8x256xf32, #tpu.memory_space<vmem>>, vector<16xf32>,
    %get3A_90 = arith.constant 192 : index
    %get3A_91 = tpu.vector_load %arg16[%get3A_90] {strides = array<i32>} : memref<336xf32, #tpu.memory_space<vmem>>, vector<16xf32>,
    %swap3A_92 = arith.constant 0 : i32
    %swap3A_93 = arith.index_cast %swap3A_92 : i32 to index
    %swap3A_94 = arith.constant 192 : index
    %swap3A_95 = tpu.vector_load %arg17[%swap3A_93, %swap3A_94] {strides = array<i32>} : memref<8x256xf32, #tpu.memory_space<vmem>>, vector<16xf32>,
    tpu.vector_store %arg17[%swap3A_93, %swap3A_94], %get3A_91 {strides = array<i32>} : memref<8x256xf32, #tpu.memory_space<vmem>>, vector<16xf32>,
    %get3A_96 = arith.constant 208 : index
    %get3A_97 = tpu.vector_load %arg16[%get3A_96] {strides = array<i32>} : memref<336xf32, #tpu.memory_space<vmem>>, vector<16xf32>,
    %swap3A_98 = arith.constant 0 : i32
    %swap3A_99 = arith.index_cast %swap3A_98 : i32 to index
    %swap3A_100 = arith.constant 208 : index
    %swap3A_101 = tpu.vector_load %arg17[%swap3A_99, %swap3A_100] {strides = array<i32>} : memref<8x256xf32, #tpu.memory_space<vmem>>, vector<16xf32>,
    tpu.vector_store %arg17[%swap3A_99, %swap3A_100], %get3A_97 {strides = array<i32>} : memref<8x256xf32, #tpu.memory_space<vmem>>, vector<16xf32>,
    %get3A_102 = arith.constant 224 : index
    %get3A_103 = tpu.vector_load %arg16[%get3A_102] {strides = array<i32>} : memref<336xf32, #tpu.memory_space<vmem>>, vector<16xf32>,
    %swap3A_104 = arith.constant 0 : i32
    %swap3A_105 = arith.index_cast %swap3A_104 : i32 to index
    %swap3A_106 = arith.constant 224 : index
    %swap3A_107 = tpu.vector_load %arg17[%swap3A_105, %swap3A_106] {strides = array<i32>} : memref<8x256xf32, #tpu.memory_space<vmem>>, vector<16xf32>,
    tpu.vector_store %arg17[%swap3A_105, %swap3A_106], %get3A_103 {strides = array<i32>} : memref<8x256xf32, #tpu.memory_space<vmem>>, vector<16xf32>,
    %get3A_108 = arith.constant 240 : index
    %get3A_109 = tpu.vector_load %arg16[%get3A_108] {strides = array<i32>} : memref<336xf32, #tpu.memory_space<vmem>>, vector<16xf32>,
    %swap3A_110 = arith.constant 0 : i32
    %swap3A_111 = arith.index_cast %swap3A_110 : i32 to index
    %swap3A_112 = arith.constant 240 : index
    %swap3A_113 = tpu.vector_load %arg17[%swap3A_111, %swap3A_112] {strides = array<i32>} : memref<8x256xf32, #tpu.memory_space<vmem>>, vector<16xf32>,
    tpu.vector_store %arg17[%swap3A_111, %swap3A_112], %get3A_109 {strides = array<i32>} : memref<8x256xf32, #tpu.memory_space<vmem>>, vector<16xf32>,
    %get3A_114 = arith.constant 256 : index
    %get3A_115 = tpu.vector_load %arg16[%get3A_114] {strides = array<i32>} : memref<336xf32, #tpu.memory_space<vmem>>, vector<16xf32>,
    %swap3A_116 = arith.constant 1 : i32
    %swap3A_117 = arith.index_cast %swap3A_116 : i32 to index
    %swap3A_118 = arith.constant 0 : index
    %swap3A_119 = tpu.vector_load %arg17[%swap3A_117, %swap3A_118] {strides = array<i32>} : memref<8x256xf32, #tpu.memory_space<vmem>>, vector<16xf32>,
    tpu.vector_store %arg17[%swap3A_117, %swap3A_118], %get3A_115 {strides = array<i32>} : memref<8x256xf32, #tpu.memory_space<vmem>>, vector<16xf32>,
    %get3A_120 = arith.constant 272 : index
    %get3A_121 = tpu.vector_load %arg16[%get3A_120] {strides = array<i32>} : memref<336xf32, #tpu.memory_space<vmem>>, vector<16xf32>,
    %swap3A_122 = arith.constant 1 : i32
    %swap3A_123 = arith.index_cast %swap3A_122 : i32 to index
    %swap3A_124 = arith.constant 16 : index
    %swap3A_125 = tpu.vector_load %arg17[%swap3A_123, %swap3A_124] {strides = array<i32>} : memref<8x256xf32, #tpu.memory_space<vmem>>, vector<16xf32>,
    tpu.vector_store %arg17[%swap3A_123, %swap3A_124], %get3A_121 {strides = array<i32>} : memref<8x256xf32, #tpu.memory_space<vmem>>, vector<16xf32>,
    %get3A_126 = arith.constant 288 : index
    %get3A_127 = tpu.vector_load %arg16[%get3A_126] {strides = array<i32>} : memref<336xf32, #tpu.memory_space<vmem>>, vector<16xf32>,
    %swap3A_128 = arith.constant 1 : i32
    %swap3A_129 = arith.index_cast %swap3A_128 : i32 to index
    %swap3A_130 = arith.constant 32 : index
    %swap3A_131 = tpu.vector_load %arg17[%swap3A_129, %swap3A_130] {strides = array<i32>} : memref<8x256xf32, #tpu.memory_space<vmem>>, vector<16xf32>,
    tpu.vector_store %arg17[%swap3A_129, %swap3A_130], %get3A_127 {strides = array<i32>} : memref<8x256xf32, #tpu.memory_space<vmem>>, vector<16xf32>,
    %get3A_132 = arith.constant 304 : index
    %get3A_133 = tpu.vector_load %arg16[%get3A_132] {strides = array<i32>} : memref<336xf32, #tpu.memory_space<vmem>>, vector<16xf32>,
    %swap3A_134 = arith.constant 1 : i32
    %swap3A_135 = arith.index_cast %swap3A_134 : i32 to index
    %swap3A_136 = arith.constant 48 : index
    %swap3A_137 = tpu.vector_load %arg17[%swap3A_135, %swap3A_136] {strides = array<i32>} : memref<8x256xf32, #tpu.memory_space<vmem>>, vector<16xf32>,
    tpu.vector_store %arg17[%swap3A_135, %swap3A_136], %get3A_133 {strides = array<i32>} : memref<8x256xf32, #tpu.memory_space<vmem>>, vector<16xf32>,
    "tpu.region"() ({
      %run_scoped3A = tpu.sem_alloc : memref<!tpu.dma_semaphore, #tpu.memory_space<semaphore_mem>>
      %dma_start3A = arith.constant 0 : i32
      %dma_start3A_140 = tpu.memref_slice %arg5[%mul3A_2, %dma_start3A] : memref<10240x256xf32, #tpu.memory_space<hbm>> -> memref<320x256xf32, #tpu.memory_space<hbm>>
      %dma_start3A_141 = arith.constant 0 : i32
      %dma_start3A_142 = tpu.memref_slice %arg5[%mul3A_2, %dma_start3A_141] : memref<10240x256xf32, #tpu.memory_space<hbm>> -> memref<320x256xf32, #tpu.memory_space<hbm>>
      tpu.enqueue_dma source(%arg15 : memref<320x256xf32, #tpu.memory_space<vmem>>) target(%dma_start3A_142 : memref<320x256xf32, #tpu.memory_space<hbm>>) target_semaphore(%run_scoped3A : memref<!tpu.dma_semaphore, #tpu.memory_space<semaphore_mem>>)
      %dma_wait3A = arith.constant 0 : i32
      %dma_wait3A_143 = tpu.memref_slice %arg5[%mul3A_2, %dma_wait3A] : memref<10240x256xf32, #tpu.memory_space<hbm>> -> memref<320x256xf32, #tpu.memory_space<hbm>>
      %dma_wait3A_144 = arith.constant 0 : i32
      %dma_wait3A_145 = tpu.memref_slice %arg5[%mul3A_2, %dma_wait3A_144] : memref<10240x256xf32, #tpu.memory_space<hbm>> -> memref<320x256xf32, #tpu.memory_space<hbm>>
      tpu.wait_dma2 semaphore(%run_scoped3A : memref<!tpu.dma_semaphore, #tpu.memory_space<semaphore_mem>>) src(%arg15 : memref<320x256xf32, #tpu.memory_space<vmem>>) dst(%dma_wait3A_145 : memref<320x256xf32, #tpu.memory_space<hbm>>)
      tpu.yield
    }) : () -> ()
    %mul3A_138 = arith.constant 8 : i32
    %mul3A_139 = arith.muli %add3A, %mul3A_138 : i32
    "tpu.region"() ({
      %run_scoped3A = tpu.sem_alloc : memref<!tpu.dma_semaphore, #tpu.memory_space<semaphore_mem>>
      %dma_start3A = arith.constant 0 : i32
      %dma_start3A_140 = tpu.memref_slice %arg6[%mul3A_139, %dma_start3A] : memref<256x256xf32, #tpu.memory_space<hbm>> -> memref<8x256xf32, #tpu.memory_space<hbm>>
      %dma_start3A_141 = arith.constant 0 : i32
      %dma_start3A_142 = tpu.memref_slice %arg6[%mul3A_139, %dma_start3A_141] : memref<256x256xf32, #tpu.memory_space<hbm>> -> memref<8x256xf32, #tpu.memory_space<hbm>>
      tpu.enqueue_dma source(%arg17 : memref<8x256xf32, #tpu.memory_space<vmem>>) target(%dma_start3A_142 : memref<8x256xf32, #tpu.memory_space<hbm>>) target_semaphore(%run_scoped3A : memref<!tpu.dma_semaphore, #tpu.memory_space<semaphore_mem>>)
      %dma_wait3A = arith.constant 0 : i32
      %dma_wait3A_143 = tpu.memref_slice %arg6[%mul3A_139, %dma_wait3A] : memref<256x256xf32, #tpu.memory_space<hbm>> -> memref<8x256xf32, #tpu.memory_space<hbm>>
      %dma_wait3A_144 = arith.constant 0 : i32
      %dma_wait3A_145 = tpu.memref_slice %arg6[%mul3A_139, %dma_wait3A_144] : memref<256x256xf32, #tpu.memory_space<hbm>> -> memref<8x256xf32, #tpu.memory_space<hbm>>
      tpu.wait_dma2 semaphore(%run_scoped3A : memref<!tpu.dma_semaphore, #tpu.memory_space<semaphore_mem>>) src(%arg17 : memref<8x256xf32, #tpu.memory_space<vmem>>) dst(%dma_wait3A_145 : memref<8x256xf32, #tpu.memory_space<hbm>>)
      tpu.yield
    }) : () -> ()
    return
  }
}

module attributes {stable_mosaic.version = 14 : i64} {
  func.func @_pre_body(%arg0: i32, %arg1: memref<1000x256xf32, #tpu.memory_space<vmem>>, %arg2: memref<256x512xf32, #tpu.memory_space<vmem>>, %arg3: memref<1000x512xf32, #tpu.memory_space<vmem>>) attributes {dimension_semantics = [#tpu.dimension_semantics<arbitrary>], iteration_bounds = array<i64: 10>, scalar_prefetch = 0 : i64, scratch_operands = 0 : i64, tpu.core_type = #tpu.core_type<tc>, window_params = [{transform_indices = @transform_0, window_bounds = array<i64: 1000, 256>}, {pipeline_mode = #tpu.pipeline_mode<synchronous>, transform_indices = @transform_1, window_bounds = array<i64: 256, 512>}, {transform_indices = @transform_2, window_bounds = array<i64: 1000, 512>}]} {
    %get3A = arith.constant 0 : index
    %get3A_0 = arith.constant 0 : index
    %get3A_1 = vector.load %arg1[%get3A, %get3A_0] : memref<1000x256xf32, #tpu.memory_space<vmem>>, vector<1000x256xf32>
    %get3A_2 = arith.constant 0 : index
    %get3A_3 = arith.constant 0 : index
    %get3A_4 = vector.load %arg2[%get3A_2, %get3A_3] : memref<256x512xf32, #tpu.memory_space<vmem>>, vector<256x512xf32>
    %dot_general3A = arith.constant dense<0.000000e+00> : vector<1000x512xf32>
    %dot_general3A_5 = tpu.matmul %get3A_1, %get3A_4, %dot_general3A {dimension_numbers = #tpu.dot_dimension_numbers<[1], [0], [0], [1], [0, 0, 1, 1], [], []>, transpose_lhs_hint = false} : vector<1000x256xf32>, vector<256x512xf32>, vector<1000x512xf32> -> vector<1000x512xf32>
    %swap3A = arith.constant 0 : index
    %swap3A_6 = arith.constant 0 : index
    %swap3A_7 = vector.load %arg3[%swap3A, %swap3A_6] : memref<1000x512xf32, #tpu.memory_space<vmem>>, vector<1000x512xf32>
    tpu.vector_store %arg3[%swap3A, %swap3A_6], %dot_general3A_5 {strides = array<i32>} : memref<1000x512xf32, #tpu.memory_space<vmem>>, vector<1000x512xf32>,
    return
  }
  func.func @transform_0(%arg0: i32) -> (i32, i32) {
    %c0_i32 = arith.constant 0 : i32
    %c0_i32_0 = arith.constant 0 : i32
    return %arg0, %c0_i32 : i32, i32
  }
  func.func @transform_1(%arg0: i32) -> (i32, i32) {
    %c0_i32 = arith.constant 0 : i32
    %c0_i32_0 = arith.constant 0 : i32
    %c0_i32_1 = arith.constant 0 : i32
    return %c0_i32, %c0_i32_0 : i32, i32
  }
  func.func @transform_2(%arg0: i32) -> (i32, i32) {
    %c0_i32 = arith.constant 0 : i32
    %c0_i32_0 = arith.constant 0 : i32
    return %arg0, %c0_i32 : i32, i32
  }
}

module attributes {stable_mosaic.version = 14 : i64} {
  func.func @_post_body(%arg0: i32, %arg1: memref<8x128xf32, #tpu.memory_space<vmem>>, %arg2: memref<1000x256xf32, #tpu.memory_space<vmem>>, %arg3: memref<1000x256xf32, #tpu.memory_space<vmem>>, %arg4: memref<1000x128xf32, #tpu.memory_space<vmem>>, %arg5: memref<1000x512xf32, #tpu.memory_space<vmem>>, %arg6: memref<256x512xf32, #tpu.memory_space<vmem>>, %arg7: memref<256x256xf32, #tpu.memory_space<vmem>>, %arg8: memref<1000x256xf32, #tpu.memory_space<vmem>>) attributes {dimension_semantics = [#tpu.dimension_semantics<arbitrary>], iteration_bounds = array<i64: 10>, scalar_prefetch = 0 : i64, scratch_operands = 0 : i64, tpu.core_type = #tpu.core_type<tc>, window_params = [{pipeline_mode = #tpu.pipeline_mode<synchronous>, transform_indices = @transform_0, window_bounds = array<i64: 8, 128>}, {transform_indices = @transform_1, window_bounds = array<i64: 1000, 256>}, {transform_indices = @transform_2, window_bounds = array<i64: 1000, 256>}, {transform_indices = @transform_3, window_bounds = array<i64: 1000, 128>}, {transform_indices = @transform_4, window_bounds = array<i64: 1000, 512>}, {pipeline_mode = #tpu.pipeline_mode<synchronous>, transform_indices = @transform_5, window_bounds = array<i64: 256, 512>}, {pipeline_mode = #tpu.pipeline_mode<synchronous>, transform_indices = @transform_6, window_bounds = array<i64: 256, 256>}, {transform_indices = @transform_7, window_bounds = array<i64: 1000, 256>}]} {
    %get3A = arith.constant 0 : index
    %get3A_0 = arith.constant 0 : index
    %get3A_1 = vector.load %arg2[%get3A, %get3A_0] : memref<1000x256xf32, #tpu.memory_space<vmem>>, vector<1000x256xf32>
    %get3A_2 = arith.constant 0 : index
    %get3A_3 = arith.constant 0 : index
    %get3A_4 = vector.load %arg3[%get3A_2, %get3A_3] : memref<1000x256xf32, #tpu.memory_space<vmem>>, vector<1000x256xf32>
    %get3A_5 = arith.constant 0 : index
    %get3A_6 = arith.constant 0 : index
    %get3A_7 = vector.load %arg4[%get3A_5, %get3A_6] : memref<1000x128xf32, #tpu.memory_space<vmem>>, vector<1000x128xf32>
    %slice3A = vector.extract_strided_slice %get3A_7 {offsets = [0, 0], sizes = [1000, 1], strides = [1, 1]} : vector<1000x128xf32> to vector<1000x1xf32>
    %max3A = arith.constant 1.000000e+00 : f32
    %max3A_8 = vector.broadcast %max3A : f32 to vector<1000x1xf32>
    %max3A_9 = arith.maximumf %slice3A, %max3A_8 : vector<1000x1xf32>
    %div3A = vector.broadcast %max3A_9 : vector<1000x1xf32> to vector<1000x256xf32>
    %div3A_10 = arith.divf %get3A_4, %div3A : vector<1000x256xf32>
    %get3A_11 = arith.constant 1 : index
    %get3A_12 = arith.constant 0 : index
    %get3A_13 = vector.load %arg1[%get3A_11, %get3A_12] : memref<8x128xf32, #tpu.memory_space<vmem>>, vector<1x1xf32>
    %get3A_14 = vector.extract %get3A_13[0, 0] : f32 from vector<1x1xf32>
    %get3A_15 = arith.constant 2 : index
    %get3A_16 = arith.constant 0 : index
    %get3A_17 = vector.load %arg1[%get3A_15, %get3A_16] : memref<8x128xf32, #tpu.memory_space<vmem>>, vector<1x1xf32>
    %get3A_18 = vector.extract %get3A_17[0, 0] : f32 from vector<1x1xf32>
    %get3A_19 = arith.constant 3 : index
    %get3A_20 = arith.constant 0 : index
    %get3A_21 = vector.load %arg1[%get3A_19, %get3A_20] : memref<8x128xf32, #tpu.memory_space<vmem>>, vector<1x1xf32>
    %get3A_22 = vector.extract %get3A_21[0, 0] : f32 from vector<1x1xf32>
    %get3A_23 = arith.constant 4 : index
    %get3A_24 = arith.constant 0 : index
    %get3A_25 = vector.load %arg1[%get3A_23, %get3A_24] : memref<8x128xf32, #tpu.memory_space<vmem>>, vector<1x1xf32>
    %get3A_26 = vector.extract %get3A_25[0, 0] : f32 from vector<1x1xf32>
    %get3A_27 = arith.constant 0 : index
    %get3A_28 = arith.constant 0 : index
    %get3A_29 = vector.load %arg6[%get3A_27, %get3A_28] : memref<256x512xf32, #tpu.memory_space<vmem>>, vector<256x512xf32>
    %dot_general3A = arith.constant dense<0.000000e+00> : vector<1000x512xf32>
    %dot_general3A_30 = tpu.matmul %div3A_10, %get3A_29, %dot_general3A {dimension_numbers = #tpu.dot_dimension_numbers<[1], [0], [0], [1], [0, 0, 1, 1], [], []>, transpose_lhs_hint = false} : vector<1000x256xf32>, vector<256x512xf32>, vector<1000x512xf32> -> vector<1000x512xf32>
    %slice3A_31 = vector.extract_strided_slice %dot_general3A_30 {offsets = [0, 0], sizes = [1000, 256], strides = [1, 1]} : vector<1000x512xf32> to vector<1000x256xf32>
    %max3A_32 = arith.constant 0.000000e+00 : f32
    %max3A_33 = vector.broadcast %max3A_32 : f32 to vector<1000x256xf32>
    %max3A_34 = arith.maximumf %slice3A_31, %max3A_33 : vector<1000x256xf32>
    %get3A_35 = arith.constant 0 : index
    %get3A_36 = arith.constant 0 : index
    %get3A_37 = vector.load %arg5[%get3A_35, %get3A_36] : memref<1000x512xf32, #tpu.memory_space<vmem>>, vector<1000x256xf32>
    %slice3A_38 = vector.extract_strided_slice %dot_general3A_30 {offsets = [0, 256], sizes = [1000, 256], strides = [1, 1]} : vector<1000x512xf32> to vector<1000x256xf32>
    %add3A = arith.addf %get3A_37, %slice3A_38 : vector<1000x256xf32>
    %max3A_39 = arith.constant 0.000000e+00 : f32
    %max3A_40 = vector.broadcast %max3A_39 : f32 to vector<1000x256xf32>
    %max3A_41 = arith.maximumf %add3A, %max3A_40 : vector<1000x256xf32>
    %get3A_42 = arith.constant 0 : index
    %get3A_43 = arith.constant 256 : index
    %get3A_44 = vector.load %arg5[%get3A_42, %get3A_43] : memref<1000x512xf32, #tpu.memory_space<vmem>>, vector<1000x256xf32>
    %get3A_45 = arith.constant 0 : index
    %get3A_46 = arith.constant 0 : index
    %get3A_47 = vector.load %arg7[%get3A_45, %get3A_46] : memref<256x256xf32, #tpu.memory_space<vmem>>, vector<256x256xf32>
    %dot_general3A_48 = arith.constant dense<0.000000e+00> : vector<1000x256xf32>
    %dot_general3A_49 = tpu.matmul %get3A_4, %get3A_47, %dot_general3A_48 {dimension_numbers = #tpu.dot_dimension_numbers<[1], [0], [0], [1], [0, 0, 1, 1], [], []>, transpose_lhs_hint = false} : vector<1000x256xf32>, vector<256x256xf32>, vector<1000x256xf32> -> vector<1000x256xf32>
    %add3A_50 = arith.addf %get3A_44, %dot_general3A_49 : vector<1000x256xf32>
    %max3A_51 = arith.constant 0.000000e+00 : f32
    %max3A_52 = vector.broadcast %max3A_51 : f32 to vector<1000x256xf32>
    %max3A_53 = arith.maximumf %add3A_50, %max3A_52 : vector<1000x256xf32>
    %mul3A = vector.broadcast %get3A_14 : f32 to vector<1000x256xf32>
    %mul3A_54 = arith.mulf %mul3A, %get3A_1 : vector<1000x256xf32>
    %mul3A_55 = vector.broadcast %get3A_18 : f32 to vector<1000x256xf32>
    %mul3A_56 = arith.mulf %mul3A_55, %max3A_34 : vector<1000x256xf32>
    %add3A_57 = arith.addf %mul3A_54, %mul3A_56 : vector<1000x256xf32>
    %mul3A_58 = vector.broadcast %get3A_22 : f32 to vector<1000x256xf32>
    %mul3A_59 = arith.mulf %mul3A_58, %max3A_41 : vector<1000x256xf32>
    %add3A_60 = arith.addf %add3A_57, %mul3A_59 : vector<1000x256xf32>
    %mul3A_61 = vector.broadcast %get3A_26 : f32 to vector<1000x256xf32>
    %mul3A_62 = arith.mulf %mul3A_61, %max3A_53 : vector<1000x256xf32>
    %add3A_63 = arith.addf %add3A_60, %mul3A_62 : vector<1000x256xf32>
    %swap3A = arith.constant 0 : index
    %swap3A_64 = arith.constant 0 : index
    %swap3A_65 = vector.load %arg8[%swap3A, %swap3A_64] : memref<1000x256xf32, #tpu.memory_space<vmem>>, vector<1000x256xf32>
    tpu.vector_store %arg8[%swap3A, %swap3A_64], %add3A_63 {strides = array<i32>} : memref<1000x256xf32, #tpu.memory_space<vmem>>, vector<1000x256xf32>,
    return
  }
  func.func @transform_0(%arg0: i32) -> (i32, i32) {
    %c0_i32 = arith.constant 0 : i32
    %c0_i32_0 = arith.constant 0 : i32
    %c0_i32_1 = arith.constant 0 : i32
    return %c0_i32, %c0_i32_0 : i32, i32
  }
  func.func @transform_1(%arg0: i32) -> (i32, i32) {
    %c0_i32 = arith.constant 0 : i32
    %c0_i32_0 = arith.constant 0 : i32
    return %arg0, %c0_i32 : i32, i32
  }
  func.func @transform_2(%arg0: i32) -> (i32, i32) {
    %c0_i32 = arith.constant 0 : i32
    %c0_i32_0 = arith.constant 0 : i32
    return %arg0, %c0_i32 : i32, i32
  }
  func.func @transform_3(%arg0: i32) -> (i32, i32) {
    %c0_i32 = arith.constant 0 : i32
    %c0_i32_0 = arith.constant 0 : i32
    return %arg0, %c0_i32 : i32, i32
  }
  func.func @transform_4(%arg0: i32) -> (i32, i32) {
    %c0_i32 = arith.constant 0 : i32
    %c0_i32_0 = arith.constant 0 : i32
    return %arg0, %c0_i32 : i32, i32
  }
  func.func @transform_5(%arg0: i32) -> (i32, i32) {
    %c0_i32 = arith.constant 0 : i32
    %c0_i32_0 = arith.constant 0 : i32
    %c0_i32_1 = arith.constant 0 : i32
    return %c0_i32, %c0_i32_0 : i32, i32
  }
  func.func @transform_6(%arg0: i32) -> (i32, i32) {
    %c0_i32 = arith.constant 0 : i32
    %c0_i32_0 = arith.constant 0 : i32
    %c0_i32_1 = arith.constant 0 : i32
    return %c0_i32, %c0_i32_0 : i32, i32
  }
  func.func @transform_7(%arg0: i32) -> (i32, i32) {
    %c0_i32 = arith.constant 0 : i32
    %c0_i32_0 = arith.constant 0 : i32
    return %arg0, %c0_i32 : i32, i32
  }
}

</mosaic_0001>

<sc_bundles>
// kernel: kernel.5.cloned.1.call-start
scs
__scs_entry_jumppad:
0x0: {  	(pc) =	sbr.rel $0x88, $3  }
0x1: {  	(tag) =	ssettag $0x0;
	lr =	simm.s32 $0x1  }
0x2: {  	[smem:$0x3F9A] =	sst lr;
	_ =	strace $0xD0000000  }
0x3: {  	_ = 	snop  }
0x4: {  	_ = 	snop  }
0x5: {  	_ = 	snop  }
0x6: {  	_ = 	snop  }
0x7: {  	_ = 	snop  }
__scs_overlays_trampoline_lowered:
0x8: {  	[smem:$0x3FA9] =	sst s0  }
0x9: {  	[smem:$0x3FAA] =	sst s1  }
0xa: {  	[smem:$0x3FAB] =	sst s2  }
0xb: {  	[smem:$0x3FAC] =	sst s3  }
0xc: {  	[smem:$0x3FAD] =	sst s4  }
0xd: {  	[smem:$0x3FAE] =	sst s5  }
0xe: {  	[smem:$0x3FAF] =	sst s6  }
0xf: {  	[smem:$0x3FB0] =	sst s7  }
0x10: {  	[smem:$0x3FB1] =	sst s8  }
0x11: {  	[smem:$0x3FB2] =	sst s9;
	s0 =	simm.s32 @!p0 $0x0  }
0x12: {  	s1 =	sld [smem:$0x3F98];
	s0 =	simm.s32 @p0 $0x1  }
0x13: {  	[smem:$0x3FB3] =	sst s0;
	s0 =	simm.s32 @!p1 $0x0  }
0x14: {  	s2 =	sld [smem:$0x3F97];
	s0 =	simm.s32 @p1 $0x1  }
0x15: {  	[smem:$0x3FB4] =	sst s0;
	s0 =	simm.s32 @!p2 $0x0  }
0x16: {  	s3 =	sld [smem:$0x3FDB];
	s0 =	simm.s32 @p2 $0x1  }
0x17: {  	s4 =	simm.s32 $0x1BF5;
	[smem:$0x3FB6] =	sst s0  }
0x18: {  	s0 =	sld [smem:$0x3F99];
	_ =	swait.ge [sflag:s4], $0x0  }
0x19: {  	s7 =	sld [smem:$0x3F9A]  }
0x1a: {  	s8 =	sadd.s32 $0xFFFFE003, lr  }
0x1b: {  	s9 =	sadd.s32 $0xFFFFFEF7, lr;
	s5 =	simm.s32 $0xFFFFFFFF;
	p2 =	slt.u32 s8, $0xFFFFF086  }
0x1c: {  	p1 =	slt.u32 s9, $0xF7A;
	s5 =	simm.s32 @!p2 $0x0  }
0x1d: {  	s5 =	simm.s32 @p1 $0x1;
	p0 =	seq.s32 s7, s2  }
0x1e: {  	s7 =	smul.u32 @!p0 $0xF7A, s2;
	p2 =	seq.s32 @!p0 s5, $0x0  }
0x1f: {  	s9 =	smul.u32 $0xF7A, s1;
	s8 =	simm.s32 @!p0 $0x1BF5;
	p2 =	por !p2, p0  }
0x20: {  	[sflag:s8] =	ssyncset.s32 @!p0 $0xFFFFF086;
	s6 =	sadd.s32 @!p0 s3, s7;
	s7 =	simm.s32 @!p0 $0x108  }
0x21: {  	s3 =	sadd.s32 s3, s9;
	s6 =	sadd.s32 @!p0 $0x88, s6;
	s7 =	simm.s32 @p2 $0x1082  }
0x22: {  	[simem:s7], [sflag:s8] =	dma.local @!p0 [hbm:s6], $0xF7A  }
0x23: {  	s9 =	sor.u32 $0xD0000000, s2;
	s6 =	simm.s32 $0x108;
	_ =	swait.ge @!p0 [sflag:s8], $0x0  }
0x24: {  	s3 =	sadd.s32 $0x88, s3;
	s6 =	simm.s32 @!p1 $0x1082;
	[sflag:s4] =	ssyncset.s32 $0xFFFFF086  }
0x25: {  	[simem:s6], [sflag:s4] =	dma.local [hbm:s3], $0xF7A  }
0x26: {  	[smem:$0x3F9A] =	sst s1;
	(tag) =	ssettag s2;
	_ =	strace s9  }
0x27: {  	s1 =	sld [smem:$0x3FAA]  }
0x28: {  	s2 =	sld [smem:$0x3FAB]  }
0x29: {  	s4 =	sld [smem:$0x3FAD]  }
0x2a: {  	p0 =	seq.s32 s5, $0x0;
	s5 =	sld [smem:$0x3FAE]  }
0x2b: {  	s6 =	sld [smem:$0x3FAF]  }
0x2c: {  	s7 =	sld [smem:$0x3FB0]  }
0x2d: {  	s3 =	simm.s32 $0x108;
	s8 =	sld [smem:$0x3FB1]  }
0x2e: {  	s3 =	simm.s32 @!p0 $0x1082;
	s9 =	sld [smem:$0x3FB2]  }
0x2f: {  	lr =	sadd.s32 s0, s3;
	s0 =	sld [smem:$0x3FA9]  }
0x30: {  	s3 =	sld [smem:$0x3FAC]  }
0x31: {  	[smem:$0x3FB5] =	sst s10  }
0x32: {  	s10 =	sld [smem:$0x3FB3];
	_ =	sdelay $0x3  }
0x33: {  	p0 =	seq.s32 s10, $0x1;
	s10 =	sld [smem:$0x3FB5];
	_ =	sdelay $0x3  }
0x34: {  	[smem:$0x3FB5] =	sst s10  }
0x35: {  	s10 =	sld [smem:$0x3FB4];
	_ =	sdelay $0x3  }
0x36: {  	p1 =	seq.s32 s10, $0x1;
	s10 =	sld [smem:$0x3FB5];
	_ =	sdelay $0x3  }
0x37: {  	[smem:$0x3FB5] =	sst s10  }
0x38: {  	s10 =	sld [smem:$0x3FB6]  }
0x39: {  	_ = 	snop;
	(pc) =	sbr.ind lr, $3  }
0x3a: {  	_ = 	snop  }
0x3b: {  	_ = 	snop  }
0x3c: {  	p2 =	seq.s32 s10, $0x1;
	s10 =	sld [smem:$0x3FB5]  }
0x3d: {  	_ =	shalt  }
0x3e: {  	_ =	shalt  }
0x3f: {  	_ =	shalt  }
0x40: {  	_ =	shalt  }
0x41: {  	_ =	shalt  }
0x42: {  	_ =	shalt  }
0x43: {  	_ =	shalt  }
0x44: {  	_ =	shalt  }
0x45: {  	_ =	shalt  }
0x46: {  	_ =	shalt  }
0x47: {  	_ =	shalt  }
0x48: {  	_ =	shalt  }
0x49: {  	_ =	shalt  }
0x4a: {  	_ =	shalt  }
0x4b: {  	_ =	shalt  }
0x4c: {  	_ =	shalt  }
0x4d: {  	_ =	shalt  }
0x4e: {  	_ =	shalt  }
0x4f: {  	_ =	shalt  }
0x50: {  	_ =	shalt  }
0x51: {  	_ =	shalt  }
0x52: {  	_ =	shalt  }
0x53: {  	_ =	shalt  }
0x54: {  	_ =	shalt  }
0x55: {  	_ =	shalt  }
0x56: {  	_ =	shalt  }
0x57: {  	_ =	shalt  }
0x58: {  	_ =	shalt  }
0x59: {  	_ =	shalt  }
0x5a: {  	_ =	shalt  }
0x5b: {  	_ =	shalt  }
0x5c: {  	_ =	shalt  }
0x5d: {  	_ =	shalt  }
0x5e: {  	_ =	shalt  }
0x5f: {  	_ =	shalt  }
0x60: {  	_ =	shalt  }
0x61: {  	_ =	shalt  }
0x62: {  	_ =	shalt  }
0x63: {  	_ =	shalt  }
0x64: {  	_ =	shalt  }
0x65: {  	_ =	shalt  }
0x66: {  	_ =	shalt  }
0x67: {  	_ =	shalt  }
0x68: {  	_ =	shalt  }
0x69: {  	_ =	shalt  }
0x6a: {  	_ =	shalt  }
0x6b: {  	_ =	shalt  }
0x6c: {  	_ =	shalt  }
0x6d: {  	_ =	shalt  }
0x6e: {  	_ =	shalt  }
0x6f: {  	_ =	shalt  }
0x70: {  	_ =	shalt  }
0x71: {  	_ =	shalt  }
0x72: {  	_ =	shalt  }
0x73: {  	_ =	shalt  }
0x74: {  	_ =	shalt  }
0x75: {  	_ =	shalt  }
0x76: {  	_ =	shalt  }
0x77: {  	_ =	shalt  }
0x78: {  	_ =	shalt  }
0x79: {  	_ =	shalt  }
0x7a: {  	_ =	shalt  }
0x7b: {  	_ =	shalt  }
0x7c: {  	_ =	shalt  }
0x7d: {  	_ =	shalt  }
0x7e: {  	_ =	shalt  }
0x7f: {  	_ =	shalt  }
0x80: {  	_ =	shalt  }
0x81: {  	_ =	shalt  }
0x82: {  	_ =	shalt  }
0x83: {  	_ =	shalt  }
0x84: {  	_ =	shalt  }
0x85: {  	_ =	shalt  }
0x86: {  	_ =	shalt  }
0x87: {  	_ =	shalt  }
.Lfunc_end0:
.L_simem_size_0:
called_computation_lowered:
.L_overlay_start_0:
0x88: {  	s2 =	sld [smem:$0x3FD9]  }
0x89: {  	s3 =	sld [smem:$0x3FFE];
	_ =	sdelay $0x1  }
0x8a: {  	s1 =	srdreg.scid  }
0x8b: {  	s0 =	sand.u32 $0x1, s1  }
0x8c: {  	s17 =	sshll.u32 s0, $0xA;
	s2 =	sadd.s32 s3, s2  }
0x8d: {  	s2 =	sadd.s32 s2, s17  }
0x8e: {  	[smem:$0x3FC1] =	sst s2  }
0x8f: {  	_ = 	snop  }
0x90: {  	s2 =	sld [smem:$0x3FC9]  }
0x91: {  	s18 =	sld [smem:$0x3FD0];
	(tm) =	ssettm $0x1  }
0x92: {  	s4 =	sld [smem:$0x3FFB];
	_ =	sdelay $0x3  }
0x93: {  	_ =	strace s4  }
0x94: {  	s4 =	sld [smem:$0x3FFC];
	_ =	sdelay $0x3  }
0x95: {  	_ =	strace s4  }
0x96: {  	s4 =	sld [smem:$0x3FFD];
	_ =	sdelay $0x3  }
0x97: {  	_ =	strace s4  }
0x98: {  	_ =	strace $0x8FFFFFFF  }
0x99: {  	s19 =	sld [smem:$0x3FDB];
	_ =	sdelay $0x1  }
0x9a: {  	s5 =	simm.s32 $_scs_section_size  }
0x9b: {  	s6 =	simm.s32 $_size__tile_overlayer_lowered;
	s7 =	simm.s32 $_tile_overlayer_lowered  }
0x9c: {  	s22 =	simm.s32 $0x1BFF;
	s21 =	sshll.u32 s7, $0x1;
	s4 =	sadd.s32 s5, s19  }
0x9d: {  	s8 =	simm.s32 $0x0;
	s20 =	sshll.u32 s6, $0x1;
	s6 =	sadd.s32 s21, s4  }
0x9e: {  	[timem:s8], [sflag:s22] =	dma.local [hbm:s6], s20  }
0x9f: {  	_ =	swait.ge [sflag:s22], s20  }
0xa0: {  	s5 =	ssub.s32 $0x0, s20;
	[sflag:s22] =	ssyncset.done $0x0  }
0xa1: {  	[sflag:s22] =	ssyncadd.s32 s5;
	_ =	sdelay $0x1  }
0xa2: {  	s23 =	simm.s32 $0x1B8B  }
0xa3: {  	_ =	swait.ge [sflag:s23], $0x1  }
0xa4: {  	[sflag:s23] =	ssyncset.done $0x0  }
0xa5: {  	s25 =	simm.s32 $0x1B8E;
	s24 =	sld [smem:$0x3FFE];
	[sflag:s23] =	ssyncadd.s32 $0xFFFFFFFF  }
0xa6: {  	s26 =	simm.s32 $execute0_lowered;
	[smem:$0x3FD2] =	sst s25  }
0xa7: {  	s6 =	sshll.u32 s26, $0x1;
	_ =	strace $0x80000046;
	[dreg:$0x1] =	wrdreg $0xFFFFFFFF  }
0xa8: {  	s28 =	simm.s32 $_size_execute0_lowered;
	s4 =	sadd.s32 s4, s6;
	[dreg:$0x0] =	wrdreg $0x0  }
0xa9: {  	s6 =	sshll.u32 s28, $0x1;
	[dreg:$0x2] =	wrdreg s4  }
0xaa: {  	[dreg:$0x3] =	wrdreg s6  }
0xab: {  	[dreg:$0x4] =	wrdreg $0xC0  }
0xac: {  	_ =	task [dreg:s8], $0x5FFFF  }
0xad: {  	[dreg:$0x1] =	wrdreg $0xFFFFFFFF  }
0xae: {  	[dreg:$0x0] =	wrdreg $0x60  }
0xaf: {  	[dreg:$0x2] =	wrdreg s2  }
0xb0: {  	[dreg:$0x3] =	wrdreg s24  }
0xb1: {  	[dreg:$0x4] =	wrdreg s18  }
0xb2: {  	[dreg:$0x5] =	wrdreg $0x9  }
0xb3: {  	_ =	task.clear_ibuf [dreg:s8], $0x6FFFF;
	_ =	strace $0x90000046  }
0xb4: {  	s29 =	simm.s32 $0x9;
	_ =	strace $0x80000048  }
0xb5: {  	_ =	swait.ge [sflag:s29], $0x1  }
0xb6: {  	[sflag:s29] =	ssyncadd.s32 $0xFFFFFFFF  }
0xb7: {  	_ =	strace $0x90000048  }
0xb8: {  	_ =	sfence  }
0xb9: {  	s30 =	sld [smem:$0x0];
	_ =	sdelay $0x2  }
0xba: {  	s31 =	sshll.u32 s1, $0xD;
	s1 =	sshrl.u32 s1, $0x2  }
0xbb: {  	s3 =	sand.u32 $0x4000, s31;
	s1 =	sadd.s32 s1, s30  }
0xbc: {  	s0 =	sor.u32 s3, s0;
	s1 =	sshll.u32 s1, $0x11  }
0xbd: {  	s0 =	sor.u32 s1, s0  }
0xbe: {  	s0 =	sadd.s32 $0x8F2B, s0  }
0xbf: {  	[sflag:s0] =	ssyncadd.remote.s32 $0x1  }
0xc0: {  	_ =	sfence.sel $0xFFFF  }
0xc1: {  	[dreg:$0x0] =	wrdreg $0xFFFFFFFF;
	(pc) =	sbr.abs _section_cstart, $3  }
0xc2: {  	[dreg:$0x1] =	wrdreg $0xFFFFFFFF  }
0xc3: {  	_ =	task.clear_ibuf [dreg:s8], $0x2FFFF;
	_ =	strace $0x9FFFFFFF  }
0xc4: {  	(tm) =	ssettm $0x7FFFFFFF  }
0xc5: {  	_ =	shalt  }
tec
execute0_lowered:
.L_overlay_start_1:
0x0: {  	(tag) =	ssettag $0x1  }
0x1: {  	s1 =	rddreg [dreg:$0x0]  }
0x2: {  	s0 =	rddreg [dreg:$0x1]  }
0x3: {  	s2 =	rddreg [dreg:$0x2]  }
0x4: {  	s3 =	srdreg.scid;
	s13 =	simm.s32 $0x0;
	s4 =	stileid.u32  }
0x5: {  	s9 =	simm.s32 $0x3;
	s10 =	simm.s32 $0x1900;
	s3 =	sand.u32 $0x1, s3  }
0x6: {  	s11 =	simm.s32 $0x1;
	[smem:$0x7FF] =	sst s13;
	s5 =	sshll.u32 s3, $0x4  }
0x7: {  	_ =	strace $0x80000047;
	s3 =	ssub.s32 $0x2, s3;
	s6 =	sor.u32 s4, s5  }
0x8: {  	s5 =	sadd.s32 $0x1800, s0;
	s29 =	sshrl.u32 s3, $0x1;
	s7 =	smul.u32 $0x2800, s6  }
.Ltmp0:
0x9: {  	s8 =	sshll.u32 s6, $0x8;
	s3 =	ssub.s32 s3, s29;
	(pc) =	sbr.rel .LBB2_1-.Ltmp0, $4  }
0xa: {  	s6 =	smul.u32 $0xFFFFFEC0, s6;
	s31 =	smax.u32 s3, $0x1;
	s7 =	sadd.s32 s7, s0  }
0xb: {  	s0 =	sadd.s32 s8, s0;
	[dreg:$0x6] =	wrdreg s31;
	s30 =	sadd.s32 $0x6800, s7  }
0xc: {  	s12 =	simm.s32 $0x1E500;
	v1 =	vimm.f32 $0.0e+00;
	s0 =	sadd.s32 $0x56800, s0;
	[dreg:$0x4] =	wrdreg s30  }
0xd: {  	v2 =	vimm.s32 $0x0;
	v3 =	vimm.f32 $1.000000000e+00;
	s15 =	simm.s32 $0x0;
	s16 =	simm.s32 $0x0;
	v0 =	vmov s6;
	[dreg:$0x5] =	wrdreg s0  }
.LBB2_34:
0xe: {  	v4 =	vld [tilespmem:$0x1E500]  }
0xf: {  	v5 =	vld [tilespmem:$0x1E510]  }
0x10: {  	v6 =	vld [tilespmem:$0x1E520]  }
0x11: {  	v7 =	vld [tilespmem:$0x1E530]  }
0x12: {  	v8 =	vld [tilespmem:$0x1E540]  }
0x13: {  	v55 =	vld [tilespmem:$0x1E570];
	[tilespmem:$0x1E680] =	vst v4  }
0x14: {  	v56 =	vld [tilespmem:$0x1E580];
	[tilespmem:$0x1E690] =	vst v5  }
0x15: {  	v57 =	vld [tilespmem:$0x1E590];
	[tilespmem:$0x1E6A0] =	vst v6  }
0x16: {  	v4 =	vld [tilespmem:$0x1E550];
	[tilespmem:$0x1E6B0] =	vst v7  }
0x17: {  	v5 =	vld [tilespmem:$0x1E560];
	[tilespmem:$0x1E6C0] =	vst v8  }
0x18: {  	v58 =	vld [tilespmem:$0x1E5C0];
	[tilespmem:$0x1E6F0] =	vst v55  }
0x19: {  	v59 =	vld [tilespmem:$0x1E5D0];
	[tilespmem:$0x1EA80] =	vst v56  }
0x1a: {  	v60 =	vld [tilespmem:$0x1E5E0];
	[tilespmem:$0x1EA90] =	vst v57  }
0x1b: {  	[tilespmem:$0x1E6D0] =	vst v4;
	v4 =	vld [tilespmem:$0x1E5A0]  }
0x1c: {  	[tilespmem:$0x1E6E0] =	vst v5;
	v5 =	vld [tilespmem:$0x1E5B0]  }
0x1d: {  	v61 =	vld [tilespmem:$0x1E610];
	[tilespmem:$0x1EAC0] =	vst v58  }
0x1e: {  	v62 =	vld [tilespmem:$0x1E620];
	[tilespmem:$0x1EAD0] =	vst v59  }
0x1f: {  	v63 =	vld [tilespmem:$0x1E630];
	[tilespmem:$0x1EAE0] =	vst v60  }
0x20: {  	[tilespmem:$0x1EAA0] =	vst v4;
	v4 =	vld [tilespmem:$0x1E5F0]  }
0x21: {  	[tilespmem:$0x1EAB0] =	vst v5;
	v5 =	vld [tilespmem:$0x1E600]  }
0x22: {  	[tilespmem:$0x1E710] =	vst v61  }
0x23: {  	[tilespmem:$0x1E720] =	vst v62  }
0x24: {  	[tilespmem:$0x1E730] =	vst v63  }
0x25: {  	[tilespmem:$0x1EAF0] =	vst v4  }
0x26: {  	s13 =	simm.s32 $0x0;
	s0 =	rddreg [dreg:$0x4];
	s3 =	simm.s32 $0xA500;
	[tilespmem:$0x1E700] =	vst v5  }
0x27: {  	[hbm4b:s0+s13] =	stream.linear.scatter [tilespmem:s3], [sflag:$0x3], $0x14000, $0x38;
	[tilespmem:$0x1EE80] =	vst v63  }
0x28: {  	_ =	swait.ge [sflag:s9], $0x14000  }
0x29: {  	[sflag:s9] =	ssyncset.done $0x0  }
0x2a: {  	s30 =	simm.s32 $0x1E680;
	s29 =	rddreg [dreg:$0x5];
	[sflag:s9] =	ssyncadd.s32 $0xFFFEC000  }
0x2b: {  	[hbm4b:s29+s13] =	stream.linear.scatter [tilespmem:s30], [sflag:$0x3], $0x800, $0x38;
	[tilespmem:$0x1EE80] =	vst v63  }
0x2c: {  	_ =	swait.ge [sflag:s9], $0x800  }
0x2d: {  	s15 =	sadd.s32 $0x1, s15;
	s31 =	rddreg [dreg:$0x6]  }
0x2e: {  	p0 =	sne.s32 s15, s31  }
.Ltmp1:
0x2f: {  	_ = 	snop;
	(pc) =	sbr.rel @!p0 .LBB2_35-.Ltmp1, $3  }
0x30: {  	_ =	sdelay $0x1  }
0x31: {  	[sflag:s9] =	ssyncset.done $0x0  }
0x32: {  	[sflag:s9] =	ssyncadd.s32 $0xFFFFF800  }
.LBB2_1:
0x33: {  	s0 =	sand.u32 $0x1F800, s13;
	s3 =	sand.u32 $0x380, s13  }
0x34: {  	s0 =	sor.u32 s3, s0  }
0x35: {  	[tilespmem:s0+$0xA970] =	vst v1  }
0x36: {  	[tilespmem:s0+$0xA500] =	vst v1  }
0x37: {  	[tilespmem:s0+$0xA510] =	vst v1  }
0x38: {  	[tilespmem:s0+$0xA520] =	vst v1  }
0x39: {  	[tilespmem:s0+$0xA530] =	vst v1  }
0x3a: {  	[tilespmem:s0+$0xA540] =	vst v1  }
0x3b: {  	[tilespmem:s0+$0xA550] =	vst v1  }
0x3c: {  	[tilespmem:s0+$0xA560] =	vst v1  }
0x3d: {  	[tilespmem:s0+$0xA570] =	vst v1  }
0x3e: {  	[tilespmem:s0+$0xA900] =	vst v1  }
0x3f: {  	[tilespmem:s0+$0xA910] =	vst v1  }
0x40: {  	[tilespmem:s0+$0xA920] =	vst v1  }
0x41: {  	[tilespmem:s0+$0xA930] =	vst v1  }
0x42: {  	s6 =	simm.s32 $0x100;
	s3 =	simm.s32 $0x80;
	[tilespmem:s0+$0xA940] =	vst v1  }
0x43: {  	s7 =	sand.u32 $0x1F800, s6;
	s6 =	simm.s32 $0x200;
	s8 =	sand.u32 $0x380, s3;
	[tilespmem:s0+$0xA950] =	vst v1  }
.LBB2_2:
0x44: {  	p0 =	sne.s32 s6, $0x13F00;
	[tilespmem:s0+$0xA960] =	vst v1;
	s0 =	sor.u32 s8, s7  }
0x45: {  	[tilespmem:s0+$0xA970] =	vst v1  }
0x46: {  	[tilespmem:s0+$0xA500] =	vst v1  }
0x47: {  	[tilespmem:s0+$0xA510] =	vst v1  }
0x48: {  	[tilespmem:s0+$0xA520] =	vst v1  }
0x49: {  	[tilespmem:s0+$0xA530] =	vst v1  }
0x4a: {  	[tilespmem:s0+$0xA540] =	vst v1  }
0x4b: {  	[tilespmem:s0+$0xA550] =	vst v1  }
0x4c: {  	[tilespmem:s0+$0xA560] =	vst v1  }
0x4d: {  	[tilespmem:s0+$0xA570] =	vst v1  }
0x4e: {  	[tilespmem:s0+$0xA900] =	vst v1  }
.Ltmp2:
0x4f: {  	[tilespmem:s0+$0xA910] =	vst v1;
	(pc) =	sbr.rel @p0 .LBB2_2-.Ltmp2, $4  }
0x50: {  	[tilespmem:s0+$0xA920] =	vst v1  }
0x51: {  	[tilespmem:s0+$0xA930] =	vst v1  }
0x52: {  	s3 =	sadd.s32 $0x80, s3;
	[tilespmem:s0+$0xA940] =	vst v1  }
0x53: {  	s7 =	sand.u32 $0x1F800, s6;
	s6 =	sadd.s32 $0x100, s6;
	s8 =	sand.u32 $0x380, s3;
	[tilespmem:s0+$0xA950] =	vst v1  }
0x54: {  	s3 =	sor.u32 s8, s7;
	[tilespmem:s0+$0xA960] =	vst v1  }
0x55: {  	[tilespmem:s3+$0xA970] =	vst v1  }
0x56: {  	[tilespmem:s3+$0xA500] =	vst v1  }
0x57: {  	[tilespmem:s3+$0xA510] =	vst v1  }
0x58: {  	[tilespmem:s3+$0xA520] =	vst v1  }
0x59: {  	[tilespmem:s3+$0xA530] =	vst v1  }
0x5a: {  	[tilespmem:s3+$0xA540] =	vst v1  }
0x5b: {  	[tilespmem:s3+$0xA550] =	vst v1  }
0x5c: {  	[tilespmem:s3+$0xA560] =	vst v1  }
0x5d: {  	[tilespmem:s3+$0xA570] =	vst v1  }
0x5e: {  	[tilespmem:s3+$0xA900] =	vst v1  }
0x5f: {  	p0 =	por $0x1, $0x1;
	[tilespmem:s3+$0xA910] =	vst v1  }
.Ltmp3:
0x60: {  	[tilespmem:s3+$0xA920] =	vst v1;
	(pc) =	sbr.rel @!p0 .LBB2_5-.Ltmp3, $4  }
0x61: {  	[tilespmem:s3+$0xA930] =	vst v1  }
0x62: {  	[tilespmem:s3+$0xA940] =	vst v1  }
0x63: {  	[tilespmem:s3+$0xA950] =	vst v1  }
0x64: {  	s0 =	simm.s32 $0x0;
	s6 =	simm.s32 $0x0;
	[tilespmem:s3+$0xA960] =	vst v1;
	s3 =	simm.s32 $0x40  }
.LBB2_4:
0x65: {  	p0 =	sne.s32 s3, $0x500;
	[tilespmem:s6+$0x1E500] =	vst v1;
	s6 =	smov.u32 s3;
	s3 =	sadd.s32 $0x40, s3  }
.Ltmp4:
0x66: {  	(pc) =	sbr.rel @p0 .LBB2_4-.Ltmp4, $2  }
0x67: {  	_ =	sdelay $0x2  }
0x68: {  	s6 =	sshra.s32 s6, $0x2  }
.LBB2_5:
0x69: {  	p0 =	por $0x1, $0x1  }
.Ltmp5:
0x6a: {  	_ = 	snop;
	(pc) =	sbr.rel @!p0 .LBB2_7-.Ltmp5, $2  }
0x6b: {  	_ =	sdelay $0x2  }
0x6c: {  	[tilespmem:s6+$0x1E500] =	vst v1;
	s3 =	simm.s32 $0x40  }
.LBB2_6:
0x6d: {  	p0 =	sne.s32 s3, $0x6440;
	[tilespmem:s0+$0x3200] =	vst v2;
	s0 =	smov.u32 s3;
	s3 =	sadd.s32 $0x40, s3  }
.Ltmp6:
0x6e: {  	(pc) =	sbr.rel @p0 .LBB2_6-.Ltmp6, $2  }
0x6f: {  	_ =	sdelay $0x2  }
0x70: {  	s0 =	sshra.s32 s0, $0x2  }
.LBB2_7:
.Ltmp7:
0x71: {  	(pc) =	sbr.rel .LBB2_8-.Ltmp7, $2  }
0x72: {  	_ =	sdelay $0x2  }
0x73: {  	[tilespmem:s0+$0x3200] =	vst v2;
	s17 =	simm.s32 $0x0  }
.LBB2_33:
0x74: {  	s17 =	sadd.s32 $0x1, s17  }
0x75: {  	p0 =	sne.s32 s17, $0x19  }
.Ltmp8:
0x76: {  	_ = 	snop;
	(pc) =	sbr.rel @!p0 .LBB2_34-.Ltmp8, $1  }
0x77: {  	_ =	sdelay $0x3  }
.LBB2_8:
0x78: {  	s0 =	smul.u32 $0x320, s17;
	_ =	sdelay $0x1  }
0x79: {  	s3 =	sadd.s32 s5, s0  }
0x7a: {  	[tilespmem:s16], [sflag:$0x3] =	stream.linear.gather [hbm4b:s3+s16], $0x1900, $0x38;
	[tilespmem:$0x1EE80] =	vst v63  }
0x7b: {  	_ =	swait.ge [sflag:s9], $0x1900  }
0x7c: {  	[sflag:s9] =	ssyncset.done $0x0  }
0x7d: {  	s0 =	sadd.s32 s2, s0;
	[sflag:s9] =	ssyncadd.s32 $0xFFFFE700  }
0x7e: {  	[tilespmem:s10], [sflag:$0x3] =	stream.linear.gather [hbm4b:s0+s16], $0x1900, $0x38;
	[tilespmem:$0x1EE80] =	vst v63  }
0x7f: {  	_ =	swait.ge [sflag:s9], $0x1900  }
0x80: {  	[sflag:s9] =	ssyncset.done $0x0  }
0x81: {  	s29 =	simm.s32 $0x0;
	[sflag:s9] =	ssyncadd.s32 $0xFFFFE700  }
0x82: {  	v4 =	vld [tilespmem:s29+$0x1900]  }
0x83: {  	s30 =	simm.s32 $0x10  }
0x84: {  	s6 =	simm.s32 $0x20;
	v5 =	vld [tilespmem:s30+$0x1900]  }
0x85: {  	v6 =	vld [tilespmem:s6+$0x1900];
	_ =	sdelay $0x1  }
0x86: {  	v10 =	vadd.s32 v0, v4  }
0x87: {  	vm0 =	vlt.u32 v10, $0x140  }
0x88: {  	v5 =	vadd.s32 v0, v5;
	v9 =	vmpcnt.ones.xlane vm0  }
0x89: {  	v4 =	vadd.s32 v0, v6;
	vm1 =	vlt.u32 v5, $0x140  }
0x8a: {  	vm2 =	vlt.u32 v4, $0x140;
	v11 =	vmpcnt.ones.xlane vm1;
	(v2sf) =	vpush v9, $0x0  }
0x8b: {  	v12 =	vmpcnt.ones.xlane vm2  }
0x8c: {  	(v2sf) =	vpush v11, $0x0  }
0x8d: {  	(v2sf) =	vpush v12, $0x0;
	_ =	sdelay $0x1  }
0x8e: {  	v7 =	vld [tilespmem:s29+$0x0];
	_ =	sdelay $0x2  }
0x8f: {  	s31 =	simm.s32 $0x30;
	vm0 =	vmmov vm0  }
0x90: {  	vm0 =	vmmov vm0;
	v9 =	vld [tilespmem:s31+$0x1900]  }
0x91: {  	[tilespmem:s16+$0x3200] =	vst.msk vm0, v7;
	v7 =	vld [tilespmem:s31+$0x0]  }
0x92: {  	v8 =	vld [tilespmem:s30+$0x0];
	vm1 =	vmmov vm1  }
0x93: {  	s3 =	simm.s32 $0x100;
	s0 =	simm.s32 $0x0;
	v6 =	vld [tilespmem:s6+$0x0];
	vm1 =	vmmov vm1;
	[tilespmem:s16+$0x4B80] =	vst.msk vm0, v10;
	vm0 =	vmmov vm2  }
.LBB2_9:
0x94: {  	p0 =	sne.s32 s3, $0x63C0  }
.Ltmp9:
0x95: {  	s6 =	sshra.s32 s3, $0x2;
	s3 =	sadd.s32 $0x40, s3;
	v10 =	vadd.s32 v0, v9;
	(pc) =	sbr.rel @p0 .LBB2_9-.Ltmp9, $4  }
0x96: {  	v9 =	vld [tilespmem:s6+$0x1900];
	vm2 =	vlt.u32 v10, $0x140;
	s7 =	spop (v2sf);
	v11 =	vmov v7  }
0x97: {  	v7 =	vld [tilespmem:s6+$0x0];
	v12 =	vmpcnt.ones.xlane vm2;
	s0 =	sadd.s32 s0, s7  }
0x98: {  	[tilespmem:s0+$0x3200] =	vst.msk vm1, v8;
	v8 =	vmov v6;
	v6 =	vmov v11  }
0x99: {  	(v2sf) =	vpush v12, $0x0;
	[tilespmem:s0+$0x4B80] =	vst.msk vm1, v5;
	v5 =	vmovc v4;
	v4 =	vmovc v10;
	vm1 =	vmmov vm0;
	vm0 =	vmmov vm2  }
0x9a: {  	_ = 	snop  }
0x9b: {  	v9 =	vadd.s32 v0, v9  }
0x9c: {  	vm2 =	vlt.u32 v9, $0x140  }
0x9d: {  	v10 =	vmpcnt.ones.xlane vm2;
	_ =	sdelay $0x1  }
0x9e: {  	(v2sf) =	vpush v10, $0x0;
	_ =	sdelay $0xb  }
0x9f: {  	s3 =	spop (v2sf)  }
0xa0: {  	s6 =	sadd.s32 s0, s3;
	s24 =	spop (v2sf)  }
0xa1: {  	s7 =	sadd.s32 s6, s24;
	s25 =	spop (v2sf)  }
0xa2: {  	s0 =	sadd.s32 s7, s25;
	s3 =	spop (v2sf)  }
0xa3: {  	s18 =	sadd.s32 s0, s3  }
0xa4: {  	s8 =	sadd.s32 $0x1F, s18  }
0xa5: {  	s13 =	sand.u32 $0x1F, s8  }
0xa6: {  	[tilespmem:s6+$0x3200] =	vst.msk vm1, v8;
	s26 =	sshra.s32 s8, $0x1F;
	p1 =	slt.s32 s8, $0x1;
	p0 =	sne.s32 s13, $0x0  }
0xa7: {  	vm0 =	vmmov vm0;
	[tilespmem:s6+$0x4B80] =	vst.msk vm1, v5;
	s28 =	sshrl.u32 s26, $0x1B;
	p0 =	por !p1, !p0  }
0xa8: {  	vm14 =	vmmov vm2;
	[tilespmem:s7+$0x3200] =	vst.msk vm0, v6;
	s6 =	sadd.s32 s28, s8;
	s8 =	simm.s32 $0x1;
	p0 =	por !p0, !p0  }
0xa9: {  	[tilespmem:s7+$0x4B80] =	vst.msk vm0, v4;
	vm15 =	vmmov vm14;
	s6 =	sshra.s32 s6, $0x5;
	s8 =	simm.s32 @!p0 $0x0  }
0xaa: {  	[tilespmem:s0+$0x3200] =	vst.msk vm15, v7;
	s19 =	ssub.s32 s6, s8  }
0xab: {  	[tilespmem:s0+$0x4B80] =	vst.msk vm15, v9;
	p0 =	slt.s32 s19, $0x1  }
0xac: {  	v4 =	vld @!p0 [tilespmem:$0x3200];
	_ =	sdelay $0x4  }
0xad: {  	v5 =	vshll.u32 @!p0 v4, $0x1  }
0xae: {  	v6 =	vlaneseq.u32 @!p0;
	v4 =	vand.u32 @!p0 $0x7, v4;
	v5 =	vand.u32 @!p0 $0xFFFFFFF0, v5  }
0xaf: {  	v7 =	vshrl.u32 @!p0 v6, $0x3;
	v4 =	vor.u32 @!p0 v4, v5;
	v5 =	vand.u32 @!p0 $0x7, v6  }
0xb0: {  	v7 =	vmul.u32 @!p0 $0x8, v7;
	v8 =	vperm.xlane @!p0 v4, v5  }
0xb1: {  	v6 =	vor.u32 @!p0 $0x8, v6  }
0xb2: {  	v4 =	vperm.xlane @!p0 v4, v6;
	v8 =	vadd.s32 @!p0 v7, v8;
	_ =	sdelay $0x1  }
0xb3: {  	v4 =	vadd.s32 @!p0 v7, v4;
	_ =	sdelay $0x1  }
0xb4: {  	vm0 =	vmmov @!p0 $0xffff;
	s6 =	simm.s32 @!p0 $0x0;
	s7 =	simm.s32 @!p0 $0x6500  }
0xb5: {  	[tilespmem:s7], [sflag:$0x1] =	stream.indirect_vreg.gather @!p0 [hbm4b:s1+s6], $0x80, v8, vm0, $0xb8;
	[tilespmem:$0x1EE80] =	vst v63  }
0xb6: {  	s7 =	simm.s32 @!p0 $0x6D00  }
0xb7: {  	[tilespmem:s7], [sflag:$0x1] =	stream.indirect_vreg.gather @!p0 [hbm4b:s1+s6], $0x80, v4, vm0, $0xb8;
	[tilespmem:$0x1EE80] =	vst v63  }
0xb8: {  	v4 =	vld @!p0 [tilespmem:$0x3210];
	_ =	sdelay $0x4  }
0xb9: {  	v8 =	vshll.u32 @!p0 v4, $0x1  }
0xba: {  	v4 =	vand.u32 @!p0 $0x7, v4;
	v8 =	vand.u32 @!p0 $0xFFFFFFF0, v8  }
0xbb: {  	v4 =	vor.u32 @!p0 v4, v8  }
0xbc: {  	v5 =	vperm.xlane @!p0 v4, v5;
	_ =	sdelay $0x1  }
0xbd: {  	v4 =	vperm.xlane @!p0 v4, v6;
	v5 =	vadd.s32 @!p0 v7, v5;
	_ =	sdelay $0x1  }
0xbe: {  	v4 =	vadd.s32 @!p0 v7, v4  }
0xbf: {  	s29 =	sadd.s32 $0x1, s19  }
0xc0: {  	s30 =	sand.u32 $0x1, s29;
	s7 =	simm.s32 @!p0 $0x7500  }
0xc1: {  	[tilespmem:s7], [sflag:$0x1] =	stream.indirect_vreg.gather @!p0 [hbm4b:s1+s6], $0x80, v5, vm0, $0xb8;
	[tilespmem:$0x1EE80] =	vst v63  }
0xc2: {  	p5 =	slt.s32 s19, $0x0;
	p6 =	seq.s32 s30, $0x1;
	s7 =	simm.s32 @!p0 $0x7D00  }
0xc3: {  	[tilespmem:s7], [sflag:$0x1] =	stream.indirect_vreg.gather @!p0 [hbm4b:s1+s6], $0x80, v4, vm0, $0xb8;
	[tilespmem:$0x1EE80] =	vst v63  }
0xc4: {  	s31 =	sshrl.u32 s29, $0x1F;
	p0 =	por !p5, !p6  }
0xc5: {  	s6 =	sadd.s32 s31, s29;
	s7 =	simm.s32 $0x1;
	p0 =	por !p0, !p0  }
0xc6: {  	s6 =	sshra.s32 s6, $0x1;
	s7 =	simm.s32 @!p0 $0x0  }
0xc7: {  	s20 =	ssub.s32 s6, s7  }
0xc8: {  	p0 =	slt.s32 s20, $0x1  }
.Ltmp10:
0xc9: {  	_ = 	snop;
	(pc) =	sbr.rel @p0 .LBB2_33-.Ltmp10, $1  }
0xca: {  	_ =	sdelay $0x3  }
.Ltmp11:
0xcb: {  	(pc) =	sbr.rel .LBB2_12-.Ltmp11, $3  }
0xcc: {  	_ =	sdelay $0x1  }
0xcd: {  	s0 =	sadd.s32 s0, s3;
	s22 =	simm.s32 $0x0;
	s23 =	simm.s32 $0x4B80  }
0xce: {  	s24 =	simm.s32 $0x4BA0;
	s25 =	smov.u32 s18;
	s21 =	sadd.s32 $0xFFFFFFE0, s0  }
.LBB2_24:
0xcf: {  	_ = 	snop  }
.LBB2_31:
0xd0: {  	s0 =	sor.u32 s7, s6  }
0xd1: {  	v5 =	vld [tilespmem:s0+$0x8500]  }
0xd2: {  	s3 =	spop (v2sf)  }
0xd3: {  	s4 =	sshll.u32 s3, $0x8;
	s3 =	sshll.u32 s3, $0x7  }
0xd4: {  	s4 =	sand.u32 $0xFFFFF800, s4;
	s3 =	sand.u32 $0x380, s3  }
0xd5: {  	s3 =	sor.u32 s3, s4  }
0xd6: {  	[tilespmem:s3+$0xA500] =	vst.add.f32.msk $0xffff, v5  }
0xd7: {  	v5 =	vld [tilespmem:s0+$0x8510];
	_ =	sdelay $0x4  }
0xd8: {  	[tilespmem:s3+$0xA510] =	vst.add.f32.msk $0xffff, v5  }
0xd9: {  	v5 =	vld [tilespmem:s0+$0x8520];
	_ =	sdelay $0x4  }
0xda: {  	[tilespmem:s3+$0xA520] =	vst.add.f32.msk $0xffff, v5  }
0xdb: {  	v5 =	vld [tilespmem:s0+$0x8530];
	_ =	sdelay $0x4  }
0xdc: {  	[tilespmem:s3+$0xA530] =	vst.add.f32.msk $0xffff, v5  }
0xdd: {  	v5 =	vld [tilespmem:s0+$0x8540];
	_ =	sdelay $0x4  }
0xde: {  	[tilespmem:s3+$0xA540] =	vst.add.f32.msk $0xffff, v5  }
0xdf: {  	v5 =	vld [tilespmem:s0+$0x8550];
	_ =	sdelay $0x1  }
0xe0: {  	[tilespmem:s30+$0xA550] =	vst.add.f32.msk @p0 $0xffff, v8  }
0xe1: {  	v6 =	vld @p0 [tilespmem:s29+$0x8560];
	_ =	sdelay $0x1  }
0xe2: {  	[tilespmem:s3+$0xA550] =	vst.add.f32.msk $0xffff, v5  }
0xe3: {  	v5 =	vld [tilespmem:s0+$0x8560];
	_ =	sdelay $0x1  }
0xe4: {  	[tilespmem:s30+$0xA560] =	vst.add.f32.msk @p0 $0xffff, v6  }
0xe5: {  	v6 =	vld @p0 [tilespmem:s29+$0x8570];
	_ =	sdelay $0x1  }
0xe6: {  	[tilespmem:s3+$0xA560] =	vst.add.f32.msk $0xffff, v5  }
0xe7: {  	v5 =	vld [tilespmem:s0+$0x8570];
	_ =	sdelay $0x1  }
0xe8: {  	[tilespmem:s30+$0xA570] =	vst.add.f32.msk @p0 $0xffff, v6  }
0xe9: {  	v6 =	vld @p0 [tilespmem:s29+$0x8900];
	_ =	sdelay $0x1  }
0xea: {  	[tilespmem:s3+$0xA570] =	vst.add.f32.msk $0xffff, v5  }
0xeb: {  	v5 =	vld [tilespmem:s0+$0x8900];
	_ =	sdelay $0x1  }
0xec: {  	[tilespmem:s30+$0xA900] =	vst.add.f32.msk @p0 $0xffff, v6  }
0xed: {  	v6 =	vld @p0 [tilespmem:s29+$0x8910];
	_ =	sdelay $0x1  }
0xee: {  	[tilespmem:s3+$0xA900] =	vst.add.f32.msk $0xffff, v5  }
0xef: {  	v5 =	vld [tilespmem:s0+$0x8910];
	_ =	sdelay $0x1  }
0xf0: {  	s4 =	smov.u32 @p0 s29;
	[tilespmem:s30+$0xA910] =	vst.add.f32.msk @p0 $0xffff, v6  }
0xf1: {  	v6 =	vld @p0 [tilespmem:s4+$0x8920];
	_ =	sdelay $0x1  }
0xf2: {  	[tilespmem:s3+$0xA910] =	vst.add.f32.msk $0xffff, v5  }
0xf3: {  	v5 =	vld [tilespmem:s0+$0x8920]  }
0xf4: {  	s6 =	smov.u32 @p0 s30  }
0xf5: {  	[tilespmem:s6+$0xA920] =	vst.add.f32.msk @p0 $0xffff, v6  }
0xf6: {  	v6 =	vld @p0 [tilespmem:s4+$0x8930];
	_ =	sdelay $0x1  }
0xf7: {  	[tilespmem:s3+$0xA920] =	vst.add.f32.msk $0xffff, v5  }
0xf8: {  	v5 =	vld [tilespmem:s0+$0x8930]  }
0xf9: {  	[tilespmem:s26+$0xA930] =	vst.add.f32.msk @p1 $0xffff, v7  }
0xfa: {  	v7 =	vld @p1 [tilespmem:s28+$0x8940];
	s6 =	smov.u32 @p0 s6;
	v6 =	vpsel p0, v6, v0  }
0xfb: {  	s4 =	smov.u32 @p0 s4;
	[tilespmem:s6+$0xA930] =	vst.add.f32.msk @p0 $0xffff, v6  }
0xfc: {  	v6 =	vld @p0 [tilespmem:s4+$0x8940]  }
0xfd: {  	[tilespmem:s3+$0xA930] =	vst.add.f32.msk $0xffff, v5  }
0xfe: {  	v5 =	vld [tilespmem:s0+$0x8940]  }
0xff: {  	[tilespmem:s26+$0xA940] =	vst.add.f32.msk @p1 $0xffff, v7  }
0x100: {  	v7 =	vld @p1 [tilespmem:s28+$0x8950]  }
0x101: {  	[tilespmem:s6+$0xA940] =	vst.add.f32.msk @p0 $0xffff, v6  }
0x102: {  	v6 =	vld @p0 [tilespmem:s4+$0x8950]  }
0x103: {  	[tilespmem:s3+$0xA940] =	vst.add.f32.msk $0xffff, v5  }
0x104: {  	v5 =	vld [tilespmem:s0+$0x8950]  }
0x105: {  	[tilespmem:s26+$0xA950] =	vst.add.f32.msk @p1 $0xffff, v7  }
0x106: {  	v7 =	vld @p1 [tilespmem:s28+$0x8960]  }
0x107: {  	[tilespmem:s6+$0xA950] =	vst.add.f32.msk @p0 $0xffff, v6  }
0x108: {  	v6 =	vld @p0 [tilespmem:s4+$0x8960]  }
0x109: {  	[tilespmem:s3+$0xA950] =	vst.add.f32.msk $0xffff, v5  }
0x10a: {  	v5 =	vld [tilespmem:s0+$0x8960]  }
0x10b: {  	[tilespmem:s26+$0xA960] =	vst.add.f32.msk @p1 $0xffff, v7  }
0x10c: {  	v8 =	vbroadcast @p1 v10, $0x0;
	v7 =	vld @p1 [tilespmem:s28+$0x8970]  }
0x10d: {  	v9 =	vpsel p0, v9, v0;
	[tilespmem:s6+$0xA960] =	vst.add.f32.msk @p0 $0xffff, v6  }
0x10e: {  	v9 =	vbroadcast @p0 v9, $0x0;
	v6 =	vld @p0 [tilespmem:s4+$0x8970]  }
0x10f: {  	[tilespmem:s3+$0xA960] =	vst.add.f32.msk $0xffff, v5  }
0x110: {  	v4 =	vbroadcast v4, $0x0;
	v5 =	vld [tilespmem:s0+$0x8970]  }
0x111: {  	[tilespmem:s26+$0xA970] =	vst.add.f32.msk @p1 $0xffff, v7  }
0x112: {  	[tilespmem:v8+s12+$0x0] =	vst.idx.add.f32.msk @p1 $0x1, v3  }
0x113: {  	[tilespmem:s6+$0xA970] =	vst.add.f32.msk @p0 $0xffff, v6  }
0x114: {  	[tilespmem:v9+s12+$0x0] =	vst.idx.add.f32.msk @p0 $0x1, v3  }
0x115: {  	[tilespmem:s3+$0xA970] =	vst.add.f32.msk $0xffff, v5  }
0x116: {  	[tilespmem:v4+s12+$0x0] =	vst.idx.add.f32.msk $0x1, v3  }
.LBB2_32:
0x117: {  	s22 =	sadd.s32 $0x1, s22  }
0x118: {  	p0 =	sne.s32 s22, s20  }
.Ltmp12:
0x119: {  	_ = 	snop;
	(pc) =	sbr.rel @!p0 .LBB2_33-.Ltmp12, $3  }
0x11a: {  	_ =	sdelay $0x1  }
0x11b: {  	s25 =	sadd.s32 $0xFFFFFFC0, s25  }
0x11c: {  	s21 =	sadd.s32 $0xFFFFFFC0, s21;
	s23 =	sadd.s32 $0x40, s23;
	s24 =	sadd.s32 $0x40, s24  }
.LBB2_12:
0x11d: {  	s26 =	sshllo.u32 s22, $0x1  }
0x11e: {  	p0 =	sge.s32 s26, s19  }
0x11f: {  	s0 =	sshll.u32 @!p0 s26, $0x7  }
0x120: {  	s0 =	sshra.s32 @!p0 s0, $0x2  }
0x121: {  	v4 =	vld @!p0 [tilespmem:s0+$0x3200];
	_ =	sdelay $0x4  }
0x122: {  	v5 =	vshll.u32 @!p0 v4, $0x1  }
0x123: {  	v6 =	vlaneseq.u32 @!p0;
	v4 =	vand.u32 @!p0 $0x7, v4;
	v5 =	vand.u32 @!p0 $0xFFFFFFF0, v5  }
0x124: {  	v7 =	vshrl.u32 @!p0 v6, $0x3;
	v4 =	vor.u32 @!p0 v4, v5;
	v5 =	vand.u32 @!p0 $0x7, v6  }
0x125: {  	v7 =	vmul.u32 @!p0 $0x8, v7;
	v8 =	vperm.xlane @!p0 v4, v5  }
0x126: {  	v6 =	vor.u32 @!p0 $0x8, v6  }
0x127: {  	v4 =	vperm.xlane @!p0 v4, v6;
	v8 =	vadd.s32 @!p0 v7, v8;
	_ =	sdelay $0x1  }
0x128: {  	v4 =	vadd.s32 @!p0 v7, v4;
	_ =	sdelay $0x1  }
0x129: {  	vm0 =	vmmov @!p0 $0xffff;
	s3 =	simm.s32 @!p0 $0x0;
	s6 =	simm.s32 @!p0 $0x8500  }
0x12a: {  	[tilespmem:s6], [sflag:$0x2] =	stream.indirect_vreg.gather @!p0 [hbm4b:s1+s3], $0x80, v8, vm0, $0xb8;
	[tilespmem:$0x1EE80] =	vst v63  }
0x12b: {  	s6 =	simm.s32 @!p0 $0x8D00  }
0x12c: {  	[tilespmem:s6], [sflag:$0x2] =	stream.indirect_vreg.gather @!p0 [hbm4b:s1+s3], $0x80, v4, vm0, $0xb8;
	[tilespmem:$0x1EE80] =	vst v63  }
0x12d: {  	v4 =	vld @!p0 [tilespmem:s0+$0x3210];
	_ =	sdelay $0x4  }
0x12e: {  	v8 =	vshll.u32 @!p0 v4, $0x1  }
0x12f: {  	v4 =	vand.u32 @!p0 $0x7, v4;
	v8 =	vand.u32 @!p0 $0xFFFFFFF0, v8  }
0x130: {  	v4 =	vor.u32 @!p0 v4, v8  }
0x131: {  	v5 =	vperm.xlane @!p0 v4, v5;
	_ =	sdelay $0x1  }
0x132: {  	v4 =	vperm.xlane @!p0 v4, v6;
	v5 =	vadd.s32 @!p0 v7, v5;
	_ =	sdelay $0x1  }
0x133: {  	v4 =	vadd.s32 @!p0 v7, v4;
	_ =	sdelay $0x1  }
0x134: {  	s0 =	simm.s32 @!p0 $0x9500  }
0x135: {  	[tilespmem:s0], [sflag:$0x2] =	stream.indirect_vreg.gather @!p0 [hbm4b:s1+s3], $0x80, v5, vm0, $0xb8;
	[tilespmem:$0x1EE80] =	vst v63  }
0x136: {  	s31 =	sshll.u32 s22, $0x6;
	s0 =	simm.s32 @!p0 $0x9D00  }
0x137: {  	[tilespmem:s0], [sflag:$0x2] =	stream.indirect_vreg.gather @!p0 [hbm4b:s1+s3], $0x80, v4, vm0, $0xb8;
	[tilespmem:$0x1EE80] =	vst v63  }
0x138: {  	s0 =	ssub.s32 s18, s31  }
0x139: {  	p1 =	slt.s32 s0, $0x1  }
.Ltmp13:
0x13a: {  	_ = 	snop;
	(pc) =	sbr.rel @p1 .LBB2_22-.Ltmp13, $4  }
0x13b: {  	_ = 	snop  }
0x13c: {  	_ =	swait.ge [sflag:s11], $0x2000  }
0x13d: {  	[sflag:s11] =	ssyncset.done $0x0  }
0x13e: {  	[sflag:s11] =	ssyncadd.s32 $0xFFFFE000  }
0x13f: {  	p1 =	sgt.s32 s25, $0x1;
	s0 =	smov.u32 s25  }
0x140: {  	s0 =	simm.s32 @!p1 $0x1  }
0x141: {  	s0 =	smin.u32 s0, $0x20  }
0x142: {  	s0 =	sshll.u32 s0, $0x8  }
0x143: {  	v4 =	vld [tilespmem:s23+$0x0];
	p3 =	seq.s32 s0, $0x100  }
.Ltmp14:
0x144: {  	_ = 	snop;
	(pc) =	sbr.rel @p3 .LBB2_14-.Ltmp14, $4  }
0x145: {  	_ = 	snop  }
0x146: {  	s7 =	simm.s32 $0x0  }
0x147: {  	s3 =	simm.s32 $0x100;
	s8 =	sadd.s32 $0x1, s23;
	p2 =	por $0x0, $0x0  }
0x148: {  	s6 =	sand.u32 $0xFFFFF800, s7;
	s7 =	sand.u32 $0x380, s7;
	p1 =	por $0x0, $0x0;
	(v2sf) =	vpush v4, $0x0  }
0x149: {  	_ =	sdelay $0xb  }
0x14a: {  	s29 =	sor.u32 s7, s6  }
0x14b: {  	v5 =	vld [tilespmem:s29+$0x6500]  }
0x14c: {  	s14 =	spop (v2sf)  }
0x14d: {  	s30 =	sshll.u32 s14, $0x8;
	s6 =	sshll.u32 s14, $0x7  }
0x14e: {  	s7 =	sand.u32 $0xFFFFF800, s30;
	s6 =	sand.u32 $0x380, s6  }
0x14f: {  	s28 =	sor.u32 s6, s7  }
0x150: {  	[tilespmem:s28+$0xA500] =	vst.add.f32.msk $0xffff, v5  }
0x151: {  	v5 =	vld [tilespmem:s29+$0x6510];
	_ =	sdelay $0x4  }
0x152: {  	[tilespmem:s28+$0xA510] =	vst.add.f32.msk $0xffff, v5  }
0x153: {  	v5 =	vld [tilespmem:s29+$0x6520];
	_ =	sdelay $0x4  }
0x154: {  	[tilespmem:s28+$0xA520] =	vst.add.f32.msk $0xffff, v5  }
0x155: {  	v5 =	vld [tilespmem:s29+$0x6530];
	_ =	sdelay $0x4  }
0x156: {  	[tilespmem:s28+$0xA530] =	vst.add.f32.msk $0xffff, v5  }
0x157: {  	v6 =	vld [tilespmem:s29+$0x6540]  }
0x158: {  	p3 =	seq.s32 s0, $0x200;
	v5 =	vld [tilespmem:s8+$0x0]  }
.Ltmp15:
0x159: {  	_ = 	snop;
	(pc) =	sbr.rel @p3 .LBB2_16-.Ltmp15, $3  }
0x15a: {  	_ =	sdelay $0x1  }
0x15b: {  	s31 =	simm.s32 $0x80;
	p1 =	por $0x1, $0x1;
	s14 =	simm.s32 $0x200;
	[tilespmem:s28+$0xA540] =	vst.add.f32.msk $0xffff, v6  }
0x15c: {  	s6 =	sand.u32 $0xFFFFF800, s3;
	s7 =	sand.u32 $0x380, s31;
	s8 =	sadd.s32 $0x1, s8;
	(v2sf) =	vpush v5, $0x0;
	v8 =	vld [tilespmem:s29+$0x6550]  }
0x15d: {  	_ =	sdelay $0xb  }
0x15e: {  	s30 =	sor.u32 s7, s6  }
0x15f: {  	v6 =	vld [tilespmem:s30+$0x6500]  }
0x160: {  	s3 =	spop (v2sf)  }
0x161: {  	s13 =	sshll.u32 s3, $0x8;
	s3 =	sshll.u32 s3, $0x7  }
0x162: {  	s6 =	sand.u32 $0xFFFFF800, s13;
	s3 =	sand.u32 $0x380, s3  }
0x163: {  	s31 =	sor.u32 s3, s6  }
0x164: {  	[tilespmem:s31+$0xA500] =	vst.add.f32.msk $0xffff, v6  }
0x165: {  	v6 =	vld [tilespmem:s30+$0x6510];
	_ =	sdelay $0x2  }
0x166: {  	[tilespmem:s28+$0xA550] =	vst.add.f32.msk $0xffff, v8  }
0x167: {  	v7 =	vld [tilespmem:s29+$0x6560]  }
0x168: {  	[tilespmem:s31+$0xA510] =	vst.add.f32.msk $0xffff, v6  }
0x169: {  	v6 =	vld [tilespmem:s30+$0x6520];
	_ =	sdelay $0x2  }
0x16a: {  	[tilespmem:s28+$0xA560] =	vst.add.f32.msk $0xffff, v7  }
0x16b: {  	v7 =	vld [tilespmem:s29+$0x6570]  }
0x16c: {  	[tilespmem:s31+$0xA520] =	vst.add.f32.msk $0xffff, v6  }
0x16d: {  	v6 =	vld [tilespmem:s30+$0x6530];
	_ =	sdelay $0x2  }
0x16e: {  	[tilespmem:s28+$0xA570] =	vst.add.f32.msk $0xffff, v7  }
0x16f: {  	v7 =	vld [tilespmem:s29+$0x6900]  }
0x170: {  	[tilespmem:s31+$0xA530] =	vst.add.f32.msk $0xffff, v6  }
0x171: {  	v6 =	vld [tilespmem:s8+$0x0];
	_ =	sdelay $0x3  }
0x172: {  	[tilespmem:s28+$0xA900] =	vst.add.f32.msk $0xffff, v7  }
0x173: {  	v7 =	vld [tilespmem:s29+$0x6910];
	(v2sf) =	vpush v6, $0x0;
	_ =	sdelay $0x3  }
0x174: {  	v8 =	vld [tilespmem:s30+$0x6540]  }
0x175: {  	[tilespmem:s28+$0xA910] =	vst.add.f32.msk $0xffff, v7  }
0x176: {  	v7 =	vld [tilespmem:s29+$0x6920]  }
0x177: {  	p3 =	seq.s32 s0, $0x300  }
.Ltmp16:
0x178: {  	_ = 	snop;
	(pc) =	sbr.rel @p3 .LBB2_18-.Ltmp16, $4  }
0x179: {  	[tilespmem:s31+$0xA540] =	vst.add.f32.msk $0xffff, v8  }
0x17a: {  	v8 =	vld [tilespmem:s30+$0x6550]  }
0x17b: {  	p2 =	por $0x1, $0x1;
	s13 =	simm.s32 $0x100;
	s3 =	simm.s32 $0x300;
	[tilespmem:s28+$0xA920] =	vst.add.f32.msk $0xffff, v7  }
0x17c: {  	s6 =	sand.u32 $0xFFFFF800, s14;
	s7 =	sand.u32 $0x380, s13;
	s14 =	sadd.s32 $0x1, s8;
	v7 =	vld [tilespmem:s29+$0x6930]  }
.LBB2_19:
0x17d: {  	v9 =	vld [tilespmem:s14+$0x0];
	s7 =	sor.u32 s7, s6;
	s6 =	smov.u32 s3  }
0x17e: {  	v10 =	vld [tilespmem:s7+$0x6500]  }
0x17f: {  	s8 =	spop (v2sf);
	[tilespmem:s31+$0xA550] =	vst.add.f32.msk $0xffff, v8  }
0x180: {  	s4 =	sshll.u32 s8, $0x8;
	s8 =	sshll.u32 s8, $0x7;
	v8 =	vld [tilespmem:s30+$0x6560]  }
0x181: {  	s4 =	sand.u32 $0xFFFFF800, s4;
	s8 =	sand.u32 $0x380, s8;
	[tilespmem:s28+$0xA930] =	vst.add.f32.msk $0xffff, v7  }
0x182: {  	s4 =	sor.u32 s8, s4;
	v7 =	vld [tilespmem:s29+$0x6940]  }
0x183: {  	[tilespmem:s4+$0xA500] =	vst.add.f32.msk $0xffff, v10  }
0x184: {  	v10 =	vld [tilespmem:s7+$0x6510]  }
0x185: {  	[tilespmem:s31+$0xA560] =	vst.add.f32.msk $0xffff, v8  }
0x186: {  	v8 =	vld [tilespmem:s30+$0x6570]  }
0x187: {  	[tilespmem:s28+$0xA940] =	vst.add.f32.msk $0xffff, v7  }
0x188: {  	v7 =	vld [tilespmem:s29+$0x6950]  }
0x189: {  	[tilespmem:s4+$0xA510] =	vst.add.f32.msk $0xffff, v10  }
0x18a: {  	v10 =	vld [tilespmem:s7+$0x6520]  }
0x18b: {  	[tilespmem:s31+$0xA570] =	vst.add.f32.msk $0xffff, v8  }
0x18c: {  	v8 =	vld [tilespmem:s30+$0x6900]  }
0x18d: {  	[tilespmem:s28+$0xA950] =	vst.add.f32.msk $0xffff, v7  }
0x18e: {  	s3 =	sadd.s32 $0x100, s3;
	v7 =	vld [tilespmem:s29+$0x6960]  }
0x18f: {  	p3 =	seq.s32 s0, s3;
	[tilespmem:s4+$0xA520] =	vst.add.f32.msk $0xffff, v10  }
0x190: {  	v10 =	vld [tilespmem:s7+$0x6530]  }
0x191: {  	[tilespmem:s31+$0xA900] =	vst.add.f32.msk $0xffff, v8  }
0x192: {  	(v2sf) =	vpush v9, $0x0;
	v8 =	vld [tilespmem:s30+$0x6910]  }
0x193: {  	[tilespmem:s28+$0xA960] =	vst.add.f32.msk $0xffff, v7  }
0x194: {  	v11 =	vbroadcast v4, $0x0;
	v4 =	vmovc v5;
	v5 =	vmov v6;
	v6 =	vmov v9;
	v7 =	vld [tilespmem:s29+$0x6970];
	s29 =	smov.u32 s30;
	s30 =	smov.u32 s7  }
0x195: {  	[tilespmem:s4+$0xA530] =	vst.add.f32.msk $0xffff, v10  }
0x196: {  	v9 =	vld [tilespmem:s30+$0x6540]  }
0x197: {  	[tilespmem:s31+$0xA910] =	vst.add.f32.msk $0xffff, v8  }
0x198: {  	v10 =	vld [tilespmem:s29+$0x6920]  }
0x199: {  	[tilespmem:s28+$0xA970] =	vst.add.f32.msk $0xffff, v7;
	s28 =	smov.u32 s31;
	s31 =	smov.u32 s4  }
.Ltmp17:
0x19a: {  	[tilespmem:v11+s12+$0x0] =	vst.idx.add.f32.msk $0x1, v3;
	(pc) =	sbr.rel @!p3 .LBB2_19-.Ltmp17, $4  }
0x19b: {  	[tilespmem:s31+$0xA540] =	vst.add.f32.msk $0xffff, v9  }
0x19c: {  	v8 =	vld [tilespmem:s30+$0x6550]  }
0x19d: {  	s13 =	sadd.s32 $0x80, s13;
	[tilespmem:s28+$0xA920] =	vst.add.f32.msk $0xffff, v10  }
0x19e: {  	s14 =	sadd.s32 $0x1, s14;
	s6 =	sand.u32 $0xFFFFF800, s6;
	s7 =	sand.u32 $0x380, s13;
	v7 =	vld [tilespmem:s29+$0x6930]  }
0x19f: {  	v10 =	vmov v4;
	v9 =	vmov v5;
	v4 =	vmov v6  }
.LBB2_21:
0x1a0: {  	s0 =	sor.u32 s7, s6  }
0x1a1: {  	v5 =	vld [tilespmem:s0+$0x6500]  }
0x1a2: {  	s3 =	spop (v2sf)  }
0x1a3: {  	s4 =	sshll.u32 s3, $0x8;
	s3 =	sshll.u32 s3, $0x7  }
0x1a4: {  	s4 =	sand.u32 $0xFFFFF800, s4;
	s3 =	sand.u32 $0x380, s3  }
0x1a5: {  	s3 =	sor.u32 s3, s4  }
0x1a6: {  	[tilespmem:s3+$0xA500] =	vst.add.f32.msk $0xffff, v5  }
0x1a7: {  	v5 =	vld [tilespmem:s0+$0x6510];
	_ =	sdelay $0x4  }
0x1a8: {  	[tilespmem:s3+$0xA510] =	vst.add.f32.msk $0xffff, v5  }
0x1a9: {  	v5 =	vld [tilespmem:s0+$0x6520];
	_ =	sdelay $0x4  }
0x1aa: {  	[tilespmem:s3+$0xA520] =	vst.add.f32.msk $0xffff, v5  }
0x1ab: {  	v5 =	vld [tilespmem:s0+$0x6530];
	_ =	sdelay $0x4  }
0x1ac: {  	[tilespmem:s3+$0xA530] =	vst.add.f32.msk $0xffff, v5  }
0x1ad: {  	v5 =	vld [tilespmem:s0+$0x6540];
	_ =	sdelay $0x4  }
0x1ae: {  	[tilespmem:s3+$0xA540] =	vst.add.f32.msk $0xffff, v5  }
0x1af: {  	v5 =	vld [tilespmem:s0+$0x6550];
	_ =	sdelay $0x1  }
0x1b0: {  	[tilespmem:s31+$0xA550] =	vst.add.f32.msk @p1 $0xffff, v8  }
0x1b1: {  	v6 =	vld @p1 [tilespmem:s30+$0x6560];
	_ =	sdelay $0x1  }
0x1b2: {  	[tilespmem:s3+$0xA550] =	vst.add.f32.msk $0xffff, v5  }
0x1b3: {  	v5 =	vld [tilespmem:s0+$0x6560];
	_ =	sdelay $0x1  }
0x1b4: {  	[tilespmem:s31+$0xA560] =	vst.add.f32.msk @p1 $0xffff, v6  }
0x1b5: {  	v6 =	vld @p1 [tilespmem:s30+$0x6570];
	_ =	sdelay $0x1  }
0x1b6: {  	[tilespmem:s3+$0xA560] =	vst.add.f32.msk $0xffff, v5  }
0x1b7: {  	v5 =	vld [tilespmem:s0+$0x6570];
	_ =	sdelay $0x1  }
0x1b8: {  	[tilespmem:s31+$0xA570] =	vst.add.f32.msk @p1 $0xffff, v6  }
0x1b9: {  	v6 =	vld @p1 [tilespmem:s30+$0x6900];
	_ =	sdelay $0x1  }
0x1ba: {  	[tilespmem:s3+$0xA570] =	vst.add.f32.msk $0xffff, v5  }
0x1bb: {  	v5 =	vld [tilespmem:s0+$0x6900];
	_ =	sdelay $0x1  }
0x1bc: {  	[tilespmem:s31+$0xA900] =	vst.add.f32.msk @p1 $0xffff, v6  }
0x1bd: {  	v6 =	vld @p1 [tilespmem:s30+$0x6910];
	_ =	sdelay $0x1  }
0x1be: {  	[tilespmem:s3+$0xA900] =	vst.add.f32.msk $0xffff, v5  }
0x1bf: {  	v5 =	vld [tilespmem:s0+$0x6910];
	_ =	sdelay $0x1  }
0x1c0: {  	s4 =	smov.u32 @p1 s30;
	[tilespmem:s31+$0xA910] =	vst.add.f32.msk @p1 $0xffff, v6  }
0x1c1: {  	v6 =	vld @p1 [tilespmem:s4+$0x6920];
	_ =	sdelay $0x1  }
0x1c2: {  	[tilespmem:s3+$0xA910] =	vst.add.f32.msk $0xffff, v5  }
0x1c3: {  	v5 =	vld [tilespmem:s0+$0x6920]  }
0x1c4: {  	s6 =	smov.u32 @p1 s31  }
0x1c5: {  	[tilespmem:s6+$0xA920] =	vst.add.f32.msk @p1 $0xffff, v6  }
0x1c6: {  	v6 =	vld @p1 [tilespmem:s4+$0x6930];
	_ =	sdelay $0x1  }
0x1c7: {  	[tilespmem:s3+$0xA920] =	vst.add.f32.msk $0xffff, v5  }
0x1c8: {  	v5 =	vld [tilespmem:s0+$0x6930]  }
0x1c9: {  	[tilespmem:s28+$0xA930] =	vst.add.f32.msk @p2 $0xffff, v7  }
0x1ca: {  	v7 =	vld @p2 [tilespmem:s29+$0x6940];
	s6 =	smov.u32 @p1 s6;
	v6 =	vpsel p1, v6, v0  }
0x1cb: {  	s4 =	smov.u32 @p1 s4;
	[tilespmem:s6+$0xA930] =	vst.add.f32.msk @p1 $0xffff, v6  }
0x1cc: {  	v6 =	vld @p1 [tilespmem:s4+$0x6940]  }
0x1cd: {  	[tilespmem:s3+$0xA930] =	vst.add.f32.msk $0xffff, v5  }
0x1ce: {  	v5 =	vld [tilespmem:s0+$0x6940]  }
0x1cf: {  	[tilespmem:s28+$0xA940] =	vst.add.f32.msk @p2 $0xffff, v7  }
0x1d0: {  	v7 =	vld @p2 [tilespmem:s29+$0x6950]  }
0x1d1: {  	[tilespmem:s6+$0xA940] =	vst.add.f32.msk @p1 $0xffff, v6  }
0x1d2: {  	v6 =	vld @p1 [tilespmem:s4+$0x6950]  }
0x1d3: {  	[tilespmem:s3+$0xA940] =	vst.add.f32.msk $0xffff, v5  }
0x1d4: {  	v5 =	vld [tilespmem:s0+$0x6950]  }
0x1d5: {  	[tilespmem:s28+$0xA950] =	vst.add.f32.msk @p2 $0xffff, v7  }
0x1d6: {  	v7 =	vld @p2 [tilespmem:s29+$0x6960]  }
0x1d7: {  	[tilespmem:s6+$0xA950] =	vst.add.f32.msk @p1 $0xffff, v6  }
0x1d8: {  	v6 =	vld @p1 [tilespmem:s4+$0x6960]  }
0x1d9: {  	[tilespmem:s3+$0xA950] =	vst.add.f32.msk $0xffff, v5  }
0x1da: {  	v5 =	vld [tilespmem:s0+$0x6960]  }
0x1db: {  	[tilespmem:s28+$0xA960] =	vst.add.f32.msk @p2 $0xffff, v7  }
0x1dc: {  	v8 =	vbroadcast @p2 v10, $0x0;
	v7 =	vld @p2 [tilespmem:s29+$0x6970]  }
0x1dd: {  	v9 =	vpsel p1, v9, v0;
	[tilespmem:s6+$0xA960] =	vst.add.f32.msk @p1 $0xffff, v6  }
0x1de: {  	v9 =	vbroadcast @p1 v9, $0x0;
	v6 =	vld @p1 [tilespmem:s4+$0x6970]  }
0x1df: {  	[tilespmem:s3+$0xA960] =	vst.add.f32.msk $0xffff, v5  }
0x1e0: {  	v4 =	vbroadcast v4, $0x0;
	v5 =	vld [tilespmem:s0+$0x6970]  }
0x1e1: {  	[tilespmem:s28+$0xA970] =	vst.add.f32.msk @p2 $0xffff, v7  }
0x1e2: {  	[tilespmem:v8+s12+$0x0] =	vst.idx.add.f32.msk @p2 $0x1, v3  }
0x1e3: {  	[tilespmem:s6+$0xA970] =	vst.add.f32.msk @p1 $0xffff, v6  }
0x1e4: {  	[tilespmem:v9+s12+$0x0] =	vst.idx.add.f32.msk @p1 $0x1, v3  }
0x1e5: {  	[tilespmem:s3+$0xA970] =	vst.add.f32.msk $0xffff, v5  }
0x1e6: {  	[tilespmem:v4+s12+$0x0] =	vst.idx.add.f32.msk $0x1, v3  }
.LBB2_22:
0x1e7: {  	s0 =	sshll.u32 s22, $0x1  }
0x1e8: {  	s0 =	sadd.s32 $0x2, s0  }
0x1e9: {  	p1 =	slt.s32 s0, s19  }
0x1ea: {  	s0 =	sshll.u32 @p1 s0, $0x7  }
0x1eb: {  	s0 =	sshra.s32 @p1 s0, $0x2  }
0x1ec: {  	v4 =	vld @p1 [tilespmem:s0+$0x3200];
	_ =	sdelay $0x4  }
0x1ed: {  	v5 =	vshll.u32 @p1 v4, $0x1  }
0x1ee: {  	v6 =	vlaneseq.u32 @p1;
	v4 =	vand.u32 @p1 $0x7, v4;
	v5 =	vand.u32 @p1 $0xFFFFFFF0, v5  }
0x1ef: {  	v7 =	vshrl.u32 @p1 v6, $0x3;
	v4 =	vor.u32 @p1 v4, v5;
	v5 =	vand.u32 @p1 $0x7, v6  }
0x1f0: {  	v7 =	vmul.u32 @p1 $0x8, v7;
	v8 =	vperm.xlane @p1 v4, v5  }
0x1f1: {  	v6 =	vor.u32 @p1 $0x8, v6  }
0x1f2: {  	v4 =	vperm.xlane @p1 v4, v6;
	v8 =	vadd.s32 @p1 v7, v8;
	_ =	sdelay $0x1  }
0x1f3: {  	v4 =	vadd.s32 @p1 v7, v4;
	_ =	sdelay $0x1  }
0x1f4: {  	vm0 =	vmmov @p1 $0xffff;
	s3 =	simm.s32 @p1 $0x0;
	s6 =	simm.s32 @p1 $0x6500  }
0x1f5: {  	[tilespmem:s6], [sflag:$0x1] =	stream.indirect_vreg.gather @p1 [hbm4b:s1+s3], $0x80, v8, vm0, $0xb8;
	[tilespmem:$0x1EE80] =	vst v63  }
0x1f6: {  	s6 =	simm.s32 @p1 $0x6D00  }
0x1f7: {  	[tilespmem:s6], [sflag:$0x1] =	stream.indirect_vreg.gather @p1 [hbm4b:s1+s3], $0x80, v4, vm0, $0xb8;
	[tilespmem:$0x1EE80] =	vst v63  }
0x1f8: {  	v4 =	vld @p1 [tilespmem:s0+$0x3210];
	_ =	sdelay $0x4  }
0x1f9: {  	v8 =	vshll.u32 @p1 v4, $0x1  }
0x1fa: {  	v4 =	vand.u32 @p1 $0x7, v4;
	v8 =	vand.u32 @p1 $0xFFFFFFF0, v8  }
0x1fb: {  	v4 =	vor.u32 @p1 v4, v8  }
0x1fc: {  	v5 =	vperm.xlane @p1 v4, v5;
	_ =	sdelay $0x1  }
0x1fd: {  	v4 =	vperm.xlane @p1 v4, v6;
	v5 =	vadd.s32 @p1 v7, v5;
	_ =	sdelay $0x1  }
0x1fe: {  	v4 =	vadd.s32 @p1 v7, v4;
	_ =	sdelay $0x1  }
0x1ff: {  	s0 =	simm.s32 @p1 $0x7500  }
0x200: {  	[tilespmem:s0], [sflag:$0x1] =	stream.indirect_vreg.gather @p1 [hbm4b:s1+s3], $0x80, v5, vm0, $0xb8;
	[tilespmem:$0x1EE80] =	vst v63  }
0x201: {  	s0 =	simm.s32 @p1 $0x7D00  }
0x202: {  	[tilespmem:s0], [sflag:$0x1] =	stream.indirect_vreg.gather @p1 [hbm4b:s1+s3], $0x80, v4, vm0, $0xb8;
	[tilespmem:$0x1EE80] =	vst v63  }
0x203: {  	s0 =	sshll.u32 @!p0 s26, $0x5  }
0x204: {  	s0 =	ssub.s32 @!p0 s18, s0  }
0x205: {  	p1 =	slt.s32 @!p0 s0, $0x1  }
0x206: {  	p1 =	por p0, p1  }
.Ltmp18:
0x207: {  	_ = 	snop;
	(pc) =	sbr.rel @p1 .LBB2_32-.Ltmp18, $4  }
0x208: {  	p2 =	sgt.s32 s21, $0x1;
	s6 =	smov.u32 s21;
	s3 =	simm.s32 @!p0 $0x2  }
0x209: {  	s6 =	simm.s32 @!p2 $0x1;
	_ =	swait.ge @!p0 [sflag:s3], $0x2000  }
0x20a: {  	s30 =	smin.u32 s6, $0x20;
	[sflag:s3] =	ssyncset.done @!p0 $0x0  }
0x20b: {  	s31 =	sshll.u32 s30, $0x8;
	[sflag:s3] =	ssyncadd.s32 @!p0 $0xFFFFE000  }
0x20c: {  	v4 =	vld [tilespmem:s24+$0x0];
	_ =	sdelay $0x4  }
0x20d: {  	(v2sf) =	vpush v4, $0x0;
	_ =	sdelay $0x6  }
0x20e: {  	p2 =	sne.s32 s31, $0x100  }
.Ltmp19:
0x20f: {  	_ = 	snop;
	(pc) =	sbr.rel @!p2 .LBB2_24-.Ltmp19, $4  }
0x210: {  	_ = 	snop  }
0x211: {  	s3 =	simm.s32 $0x0  }
0x212: {  	s0 =	simm.s32 $0x100;
	p0 =	por $0x0, $0x0;
	p1 =	por $0x0, $0x0  }
0x213: {  	s6 =	sand.u32 $0xFFFFF800, s3;
	s7 =	sand.u32 $0x380, s3;
	s3 =	sadd.s32 $0x1, s24  }
0x214: {  	s28 =	sor.u32 s7, s6  }
0x215: {  	v5 =	vld [tilespmem:s28+$0x8500]  }
0x216: {  	s4 =	spop (v2sf)  }
0x217: {  	s29 =	sshll.u32 s4, $0x8;
	s4 =	sshll.u32 s4, $0x7  }
0x218: {  	s6 =	sand.u32 $0xFFFFF800, s29;
	s4 =	sand.u32 $0x380, s4  }
0x219: {  	s26 =	sor.u32 s4, s6  }
0x21a: {  	[tilespmem:s26+$0xA500] =	vst.add.f32.msk $0xffff, v5  }
0x21b: {  	v5 =	vld [tilespmem:s28+$0x8510];
	_ =	sdelay $0x4  }
0x21c: {  	[tilespmem:s26+$0xA510] =	vst.add.f32.msk $0xffff, v5  }
0x21d: {  	v5 =	vld [tilespmem:s28+$0x8520];
	_ =	sdelay $0x4  }
0x21e: {  	[tilespmem:s26+$0xA520] =	vst.add.f32.msk $0xffff, v5  }
0x21f: {  	v5 =	vld [tilespmem:s28+$0x8530];
	_ =	sdelay $0x4  }
0x220: {  	[tilespmem:s26+$0xA530] =	vst.add.f32.msk $0xffff, v5  }
0x221: {  	v5 =	vld [tilespmem:s3+$0x0];
	_ =	sdelay $0x4  }
0x222: {  	(v2sf) =	vpush v5, $0x0;
	_ =	sdelay $0x5  }
0x223: {  	v6 =	vld [tilespmem:s28+$0x8540]  }
0x224: {  	p2 =	sne.s32 s31, $0x200  }
.Ltmp20:
0x225: {  	_ = 	snop;
	(pc) =	sbr.rel @!p2 .LBB2_26-.Ltmp20, $3  }
0x226: {  	_ =	sdelay $0x1  }
0x227: {  	s13 =	simm.s32 $0x200;
	s30 =	simm.s32 $0x80;
	s8 =	sadd.s32 $0x1, s3;
	[tilespmem:s26+$0xA540] =	vst.add.f32.msk $0xffff, v6  }
0x228: {  	p0 =	por $0x1, $0x1;
	s7 =	sand.u32 $0x380, s30;
	s6 =	sand.u32 $0xFFFFF800, s0;
	v8 =	vld [tilespmem:s28+$0x8550]  }
0x229: {  	s29 =	sor.u32 s7, s6  }
0x22a: {  	v6 =	vld [tilespmem:s29+$0x8500]  }
0x22b: {  	s0 =	spop (v2sf)  }
0x22c: {  	s3 =	sshll.u32 s0, $0x8;
	s0 =	sshll.u32 s0, $0x7  }
0x22d: {  	s3 =	sand.u32 $0xFFFFF800, s3;
	s0 =	sand.u32 $0x380, s0  }
0x22e: {  	s30 =	sor.u32 s0, s3  }
0x22f: {  	[tilespmem:s30+$0xA500] =	vst.add.f32.msk $0xffff, v6  }
0x230: {  	v6 =	vld [tilespmem:s29+$0x8510];
	_ =	sdelay $0x2  }
0x231: {  	[tilespmem:s26+$0xA550] =	vst.add.f32.msk $0xffff, v8  }
0x232: {  	v7 =	vld [tilespmem:s28+$0x8560]  }
0x233: {  	[tilespmem:s30+$0xA510] =	vst.add.f32.msk $0xffff, v6  }
0x234: {  	v6 =	vld [tilespmem:s29+$0x8520];
	_ =	sdelay $0x2  }
0x235: {  	[tilespmem:s26+$0xA560] =	vst.add.f32.msk $0xffff, v7  }
0x236: {  	v7 =	vld [tilespmem:s28+$0x8570]  }
0x237: {  	[tilespmem:s30+$0xA520] =	vst.add.f32.msk $0xffff, v6  }
0x238: {  	v6 =	vld [tilespmem:s29+$0x8530];
	_ =	sdelay $0x2  }
0x239: {  	[tilespmem:s26+$0xA570] =	vst.add.f32.msk $0xffff, v7  }
0x23a: {  	v7 =	vld [tilespmem:s28+$0x8900]  }
0x23b: {  	[tilespmem:s30+$0xA530] =	vst.add.f32.msk $0xffff, v6  }
0x23c: {  	v6 =	vld [tilespmem:s8+$0x0];
	_ =	sdelay $0x3  }
0x23d: {  	[tilespmem:s26+$0xA900] =	vst.add.f32.msk $0xffff, v7  }
0x23e: {  	v7 =	vld [tilespmem:s28+$0x8910];
	(v2sf) =	vpush v6, $0x0;
	_ =	sdelay $0x3  }
0x23f: {  	v8 =	vld [tilespmem:s29+$0x8540]  }
0x240: {  	[tilespmem:s26+$0xA910] =	vst.add.f32.msk $0xffff, v7  }
0x241: {  	v7 =	vld [tilespmem:s28+$0x8920]  }
0x242: {  	p2 =	sne.s32 s31, $0x300  }
.Ltmp21:
0x243: {  	_ = 	snop;
	(pc) =	sbr.rel @!p2 .LBB2_28-.Ltmp21, $4  }
0x244: {  	[tilespmem:s30+$0xA540] =	vst.add.f32.msk $0xffff, v8  }
0x245: {  	v8 =	vld [tilespmem:s29+$0x8550]  }
0x246: {  	s6 =	sand.u32 $0xFFFFF800, s13;
	s13 =	sadd.s32 $0x1, s8;
	s3 =	simm.s32 $0x100;
	[tilespmem:s26+$0xA920] =	vst.add.f32.msk $0xffff, v7  }
0x247: {  	p1 =	por $0x1, $0x1;
	s0 =	simm.s32 $0x300;
	s7 =	sand.u32 $0x380, s3;
	v7 =	vld [tilespmem:s28+$0x8930]  }
.LBB2_29:
0x248: {  	v9 =	vld [tilespmem:s13+$0x0];
	s4 =	sor.u32 s7, s6;
	s6 =	smov.u32 s0  }
0x249: {  	v10 =	vld [tilespmem:s4+$0x8500]  }
0x24a: {  	s7 =	spop (v2sf);
	[tilespmem:s30+$0xA550] =	vst.add.f32.msk $0xffff, v8  }
0x24b: {  	s8 =	sshll.u32 s7, $0x8;
	s7 =	sshll.u32 s7, $0x7;
	v8 =	vld [tilespmem:s29+$0x8560]  }
0x24c: {  	s8 =	sand.u32 $0xFFFFF800, s8;
	s7 =	sand.u32 $0x380, s7;
	[tilespmem:s26+$0xA930] =	vst.add.f32.msk $0xffff, v7  }
0x24d: {  	s7 =	sor.u32 s7, s8;
	v7 =	vld [tilespmem:s28+$0x8940]  }
0x24e: {  	[tilespmem:s7+$0xA500] =	vst.add.f32.msk $0xffff, v10  }
0x24f: {  	v10 =	vld [tilespmem:s4+$0x8510]  }
0x250: {  	[tilespmem:s30+$0xA560] =	vst.add.f32.msk $0xffff, v8  }
0x251: {  	v8 =	vld [tilespmem:s29+$0x8570]  }
0x252: {  	[tilespmem:s26+$0xA940] =	vst.add.f32.msk $0xffff, v7  }
0x253: {  	v7 =	vld [tilespmem:s28+$0x8950]  }
0x254: {  	[tilespmem:s7+$0xA510] =	vst.add.f32.msk $0xffff, v10  }
0x255: {  	v10 =	vld [tilespmem:s4+$0x8520]  }
0x256: {  	[tilespmem:s30+$0xA570] =	vst.add.f32.msk $0xffff, v8  }
0x257: {  	v8 =	vld [tilespmem:s29+$0x8900]  }
0x258: {  	[tilespmem:s26+$0xA950] =	vst.add.f32.msk $0xffff, v7  }
0x259: {  	s0 =	sadd.s32 $0x100, s0;
	v7 =	vld [tilespmem:s28+$0x8960]  }
0x25a: {  	p2 =	sne.s32 s31, s0;
	[tilespmem:s7+$0xA520] =	vst.add.f32.msk $0xffff, v10  }
0x25b: {  	v10 =	vld [tilespmem:s4+$0x8530]  }
0x25c: {  	[tilespmem:s30+$0xA900] =	vst.add.f32.msk $0xffff, v8  }
0x25d: {  	(v2sf) =	vpush v9, $0x0;
	v8 =	vld [tilespmem:s29+$0x8910]  }
0x25e: {  	[tilespmem:s26+$0xA960] =	vst.add.f32.msk $0xffff, v7  }
0x25f: {  	v11 =	vbroadcast v4, $0x0;
	v4 =	vmovc v5;
	v5 =	vmov v6;
	v6 =	vmov v9;
	v7 =	vld [tilespmem:s28+$0x8970];
	s28 =	smov.u32 s29;
	s29 =	smov.u32 s4  }
0x260: {  	[tilespmem:s7+$0xA530] =	vst.add.f32.msk $0xffff, v10  }
0x261: {  	v9 =	vld [tilespmem:s29+$0x8540]  }
0x262: {  	[tilespmem:s30+$0xA910] =	vst.add.f32.msk $0xffff, v8  }
0x263: {  	v10 =	vld [tilespmem:s28+$0x8920]  }
0x264: {  	[tilespmem:s26+$0xA970] =	vst.add.f32.msk $0xffff, v7;
	s26 =	smov.u32 s30;
	s30 =	smov.u32 s7  }
.Ltmp22:
0x265: {  	[tilespmem:v11+s12+$0x0] =	vst.idx.add.f32.msk $0x1, v3;
	(pc) =	sbr.rel @p2 .LBB2_29-.Ltmp22, $4  }
0x266: {  	[tilespmem:s30+$0xA540] =	vst.add.f32.msk $0xffff, v9  }
0x267: {  	v8 =	vld [tilespmem:s29+$0x8550]  }
0x268: {  	s3 =	sadd.s32 $0x80, s3;
	[tilespmem:s26+$0xA920] =	vst.add.f32.msk $0xffff, v10  }
0x269: {  	s13 =	sadd.s32 $0x1, s13;
	s6 =	sand.u32 $0xFFFFF800, s6;
	s7 =	sand.u32 $0x380, s3;
	v7 =	vld [tilespmem:s28+$0x8930]  }
.Ltmp23:
0x26a: {  	(pc) =	sbr.rel .LBB2_31-.Ltmp23, $2  }
0x26b: {  	_ =	sdelay $0x2  }
0x26c: {  	v10 =	vmov v4;
	v9 =	vmov v5;
	v4 =	vmov v6  }
.LBB2_14:
.Ltmp24:
0x26d: {  	(pc) =	sbr.rel .LBB2_21-.Ltmp24, $2  }
0x26e: {  	_ =	sdelay $0x2  }
0x26f: {  	_ = 	snop  }
.LBB2_16:
.Ltmp25:
0x270: {  	(pc) =	sbr.rel .LBB2_21-.Ltmp25, $2  }
0x271: {  	_ =	sdelay $0x2  }
0x272: {  	s31 =	smov.u32 s28;
	s30 =	smov.u32 s29;
	v9 =	vmov v4;
	v4 =	vmov v5  }
.LBB2_26:
.Ltmp26:
0x273: {  	(pc) =	sbr.rel .LBB2_31-.Ltmp26, $2  }
0x274: {  	_ =	sdelay $0x2  }
0x275: {  	s30 =	smov.u32 s26;
	s29 =	smov.u32 s28;
	v9 =	vmov v4;
	v4 =	vmov v5  }
.LBB2_18:
.Ltmp27:
0x276: {  	(pc) =	sbr.rel .LBB2_21-.Ltmp27, $2  }
0x277: {  	_ =	sdelay $0x2  }
0x278: {  	v10 =	vmov v4;
	v9 =	vmov v5;
	v4 =	vmov v6  }
.LBB2_28:
.Ltmp28:
0x279: {  	(pc) =	sbr.rel .LBB2_31-.Ltmp28, $2  }
0x27a: {  	_ =	sdelay $0x2  }
0x27b: {  	v10 =	vmov v4;
	v9 =	vmov v5;
	v4 =	vmov v6  }
.LBB2_35:
0x27c: {  	_ =	sfence.sel $0x180000  }
0x27d: {  	[bflag:$0x0] =	sbarrier.arrive $0xFFFF  }
0x27e: {  	_ =	strace $0x90000047  }
0x27f: {  	s0 =	stileid.u32;
	[bflag:$0x2] =	sbarrier.arrive $0xFFFF  }
0x280: {  	p0 =	sne.s32 s0, $0x0;
	s0 =	rddreg [dreg:$0x3]  }
0x281: {  	s0 =	sadd.s32 @!p0 $0x100000, s0  }
0x282: {  	[sflag:s0] =	ssyncadd.tile.s32 @!p0 $0x1;
	_ =	shalt  }
.Lfunc_end2:
_tile_overlayer_lowered:
.L_overlay_start_2:
0x283: {  	(tag) =	ssettag $0x2  }
0x284: {  	s0 =	rddreg [dreg:$0x0];
	s2 =	stileid.u32  }
0x285: {  	s1 =	rddreg [dreg:$0x1];
	p0 =	sne.s32 s2, $0x0  }
0x286: {  	s3 =	rddreg [dreg:$0x2];
	[bflag:$0x3] =	sbarrier.arrive $0xFFFF;
	s2 =	simm.s32 @!p0 $0x1C03  }
0x287: {  	[timem:s3], [sflag:s2] =	dma.local @!p0 [hbm:s0], s1  }
0x288: {  	s0 =	simm.s32 @!p0 $0x3  }
0x289: {  	_ =	swait.ge @!p0 [sflag:s0], s1  }
0x28a: {  	s1 =	ssub.s32 @!p0 $0x0, s1;
	[sflag:s0] =	ssyncset.done @!p0 $0x0  }
0x28b: {  	[sflag:s0] =	ssyncadd.s32 @!p0 s1  }
0x28c: {  	[bflag:$0x3] =	sbarrier.arrive $0xFFFF  }
0x28d: {  	_ =	shalt  }

</sc_bundles>
